<compile_context>
chip_gen: v7x
topology: tpu7x:2x2x1
jax: 0.10.2.dev20260603
libtpu: 0.0.44.dev20260713+nightly
codegen_flags: <defaults>
</compile_context>

<pallas_src>
import functools

import jax
import jax.numpy as jnp
from jax import lax
from jax.experimental import pallas as pl
from jax.experimental.pallas import tpu as pltpu
from jax.experimental.pallas import tpu_sc as plsc

f32 = jnp.float32
i32 = jnp.int32

N = 50000
NPAD = 50176
R = NPAD // 128
E = 800000
NC, NS = 2, 16
NT = NC * NS
EPT = 25088
RPT = EPT // 128
LAST_START = E - EPT
SKIP_LAST = 22
SL = NPAD // NS

_mesh = plsc.VectorSubcoreMesh(
    core_axis_name="c", subcore_axis_name="s", num_cores=NC, num_subcores=NS)


def _tile_window(cid, sid):
    wid = cid * NS + sid
    start = jnp.minimum(wid * EPT, LAST_START)
    row_lo = jnp.where(wid == NT - 1, SKIP_LAST, 0)
    return wid, start, row_lo


def _zero_acc_slice(zbuf, acc, sid):
    def zb(i, _):
        zbuf[pl.ds(i * 16, 16)] = jnp.zeros((16,), f32)
        return 0
    lax.fori_loop(0, SL // 16, zb, 0)
    pltpu.sync_copy(zbuf.at[pl.ds(0, SL)], acc.at[pl.ds(sid * SL, SL)])


@functools.partial(
    pl.kernel,
    out_type=jax.ShapeDtypeStruct((NC * NPAD,), f32),
    mesh=_mesh,
    compiler_params=pltpu.CompilerParams(needs_layout_passes=False),
    scratch_types=[
        pltpu.VMEM((2, EPT), i32),
        pltpu.VMEM((1, 128), f32),
        pltpu.VMEM((SL,), f32),
        pltpu.VMEM_SHARED((NPAD,), f32),
        pltpu.SemaphoreType.DMA,
        pltpu.SemaphoreType.DMA,
    ],
)
def _deg_kernel(ei, ones_row, out, ebuf, obuf, zbuf, acc, esem, ssem):
    cid = lax.axis_index("c")
    sid = lax.axis_index("s")
    wid, start, row_lo = _tile_window(cid, sid)
    edma = pltpu.async_copy(ei.at[:, pl.ds(start, EPT)], ebuf, esem)
    pltpu.sync_copy(ones_row, obuf)
    _zero_acc_slice(zbuf, acc, sid)
    edma.wait()
    plsc.subcore_barrier()

    def fire(j, _):
        pltpu.async_copy(obuf.at[0], acc.at[ebuf.at[1, pl.ds(j * 128, 128)]],
                         ssem, add=True)
        return 0
    lax.fori_loop(row_lo, RPT, fire, 0)

    def drain(j, _):
        pltpu.make_async_copy(obuf.at[0],
                              acc.at[ebuf.at[1, pl.ds(j * 128, 128)]],
                              ssem).wait()
        return 0
    lax.fori_loop(row_lo, RPT, drain, 0)
    plsc.subcore_barrier()
    pltpu.sync_copy(acc.at[pl.ds(sid * SL, SL)], zbuf.at[pl.ds(0, SL)])
    pltpu.sync_copy(zbuf.at[pl.ds(0, SL)],
                    out.at[pl.ds(cid * NPAD + sid * SL, SL)])


def _rsqrt16(d):
    y = plsc.bitcast(0x5F3759DF - (plsc.bitcast(d, i32) >> 1), f32)
    for _ in range(3):
        y = y * (1.5 - 0.5 * d * y * y)
    return y


@functools.partial(
    pl.kernel,
    out_type=[jax.ShapeDtypeStruct((NC * NPAD,), f32),
              jax.ShapeDtypeStruct((NC * NPAD,), f32)],
    mesh=_mesh,
    compiler_params=pltpu.CompilerParams(needs_layout_passes=False),
    scratch_types=[
        pltpu.VMEM((NPAD,), f32),
        pltpu.VMEM((2, EPT), i32),
        pltpu.VMEM((EPT,), f32),
        pltpu.VMEM_SHARED((NPAD,), f32),
        pltpu.SemaphoreType.DMA,
        pltpu.SemaphoreType.DMA,
        pltpu.SemaphoreType.DMA,
    ],
)
def _s1_kernel(degp, xp, ei, out, a_hbm, tab, ebuf, vbuf, acc,
               esem, tsem, ssem):
    cid = lax.axis_index("c")
    sid = lax.axis_index("s")
    wid, start, row_lo = _tile_window(cid, sid)
    edma = pltpu.async_copy(ei.at[:, pl.ds(start, EPT)], ebuf, esem)
    d0ma = pltpu.async_copy(degp.at[pl.ds(sid * SL, SL)],
                            vbuf.at[pl.ds(0, SL)], tsem)
    d1ma = pltpu.async_copy(degp.at[pl.ds(NPAD + sid * SL, SL)],
                            vbuf.at[pl.ds(SL, SL)], tsem)
    xma = pltpu.async_copy(xp.at[pl.ds(sid * SL, SL)],
                           vbuf.at[pl.ds(2 * SL, SL)], tsem)
    def zb(i, _):
        vbuf[pl.ds(3 * SL + i * 16, 16)] = jnp.zeros((16,), f32)
        return 0
    lax.fori_loop(0, SL // 16, zb, 0)
    pltpu.sync_copy(vbuf.at[pl.ds(3 * SL, SL)], acc.at[pl.ds(sid * SL, SL)])
    d0ma.wait()
    d1ma.wait()
    xma.wait()

    def ab(i, _):
        d = vbuf[pl.ds(i * 16, 16)] + vbuf[pl.ds(SL + i * 16, 16)] + 1.0
        vbuf[pl.ds(3 * SL + i * 16, 16)] = (
            vbuf[pl.ds(2 * SL + i * 16, 16)] * _rsqrt16(d))
        return 0
    lax.fori_loop(0, SL // 16, ab, 0)
    pltpu.sync_copy(vbuf.at[pl.ds(3 * SL, SL)],
                    a_hbm.at[pl.ds(cid * NPAD + sid * SL, SL)])
    plsc.subcore_barrier()
    pltpu.sync_copy(a_hbm.at[pl.ds(cid * NPAD, NPAD)], tab)
    edma.wait()

    def gf(j, _):
        for u in range(8):
            idx = ebuf[0, pl.ds(j * 128 + u * 16, 16)]
            vbuf[pl.ds(j * 128 + u * 16, 16)] = plsc.load_gather(tab, [idx])
        pltpu.async_copy(vbuf.at[pl.ds(j * 128, 128)],
                         acc.at[ebuf.at[1, pl.ds(j * 128, 128)]],
                         ssem, add=True)
        return 0
    lax.fori_loop(row_lo, RPT, gf, 0)

    def drain(j, _):
        pltpu.make_async_copy(vbuf.at[pl.ds(j * 128, 128)],
                              acc.at[ebuf.at[1, pl.ds(j * 128, 128)]],
                              ssem).wait()
        return 0
    lax.fori_loop(row_lo, RPT, drain, 0)
    plsc.subcore_barrier()
    pltpu.sync_copy(acc.at[pl.ds(sid * SL, SL)], vbuf.at[pl.ds(0, SL)])
    pltpu.sync_copy(vbuf.at[pl.ds(0, SL)],
                    out.at[pl.ds(cid * NPAD + sid * SL, SL)])


@functools.partial(
    pl.kernel,
    out_type=jax.ShapeDtypeStruct((NC * NPAD,), f32),
    mesh=_mesh,
    compiler_params=pltpu.CompilerParams(needs_layout_passes=False),
    scratch_types=[
        pltpu.VMEM((NPAD,), f32),
        pltpu.VMEM((2, EPT), i32),
        pltpu.VMEM((EPT,), f32),
        pltpu.VMEM_SHARED((NPAD,), f32),
        pltpu.SemaphoreType.DMA,
        pltpu.SemaphoreType.DMA,
        pltpu.SemaphoreType.DMA,
    ],
)
def _out_kernel(table, ei, out, tab, ebuf, vbuf, acc, esem, tsem, ssem):
    cid = lax.axis_index("c")
    sid = lax.axis_index("s")
    wid, start, row_lo = _tile_window(cid, sid)
    edma = pltpu.async_copy(ei.at[:, pl.ds(start, EPT)], ebuf, esem)
    tdma = pltpu.async_copy(table, tab, tsem)
    _zero_acc_slice(vbuf, acc, sid)
    edma.wait()
    tdma.wait()
    plsc.subcore_barrier()

    def gf(j, _):
        for u in range(8):
            idx = ebuf[0, pl.ds(j * 128 + u * 16, 16)]
            vbuf[pl.ds(j * 128 + u * 16, 16)] = plsc.load_gather(tab, [idx])
        pltpu.async_copy(vbuf.at[pl.ds(j * 128, 128)],
                         acc.at[ebuf.at[1, pl.ds(j * 128, 128)]],
                         ssem, add=True)
        return 0
    lax.fori_loop(row_lo, RPT, gf, 0)

    def drain(j, _):
        pltpu.make_async_copy(vbuf.at[pl.ds(j * 128, 128)],
                              acc.at[ebuf.at[1, pl.ds(j * 128, 128)]],
                              ssem).wait()
        return 0
    lax.fori_loop(row_lo, RPT, drain, 0)
    plsc.subcore_barrier()
    pltpu.sync_copy(acc.at[pl.ds(sid * SL, SL)], vbuf.at[pl.ds(0, SL)])
    pltpu.sync_copy(vbuf.at[pl.ds(0, SL)],
                    out.at[pl.ds(cid * NPAD + sid * SL, SL)])



def _tc_dis(q0, q1):
    deg = q0 + q1 + 1.0
    dis = lax.rsqrt(deg)
    dis = dis * (1.5 - 0.5 * deg * dis * dis)
    return deg, dis


RB = 56


def _t2_body(p0, p1, q0, q1, xb, w1s, b1s, w2s, b_o, zself_o):
    deg, dis = _tc_dis(q0[...], q1[...])
    dis2 = 1.0 / deg
    s1 = dis * (p0[...] + p1[...]) + xb[...] * dis2

    def step(k, z):
        h = jnp.maximum(s1 * w1s[0, k] + b1s[0, k], 0.0)
        return z + h * w2s[0, k]
    z = lax.fori_loop(0, 128, step, jnp.zeros_like(s1))
    b_o[...] = z * dis
    zself_o[...] = z * dis2


_blk = pl.BlockSpec((RB, 128), lambda i: (i, 0))
_pblk0 = pl.BlockSpec((RB, 128), lambda i: (i, 0))
_pblk1 = pl.BlockSpec((RB, 128), lambda i: (i + R // RB, 0))
_wrow = pl.BlockSpec(memory_space=pltpu.SMEM)
_t2 = pl.pallas_call(
    _t2_body,
    grid=(R // RB,),
    in_specs=[_pblk0, _pblk1, _pblk0, _pblk1, _blk, _wrow, _wrow, _wrow],
    out_specs=[_blk, _blk],
    out_shape=[jax.ShapeDtypeStruct((R, 128), f32)] * 2,
)


def _t3_body(op, qp, zself, b2s, out_o):
    o = op[...]
    q = qp[...]
    _, dis = _tc_dis(q[:R], q[R:])
    out_o[...] = dis * (o[:R] + o[R:]) + zself[...] + b2s[0, 0]


_t3 = pl.pallas_call(
    _t3_body,
    in_specs=[pl.BlockSpec(memory_space=pltpu.VMEM)] * 3
    + [pl.BlockSpec(memory_space=pltpu.SMEM)],
    out_shape=jax.ShapeDtypeStruct((R, 128), f32),
)


def kernel(x, edge_index, W1, b1, W2, b2):
    x = x.astype(f32)
    ei = edge_index.astype(i32)
    xp = jnp.pad(x[:, 0], (0, NPAD - N))
    ones_row = jnp.ones((1, 128), f32)

    degp = _deg_kernel(ei, ones_row)
    degp2 = degp.reshape(2 * R, 128)

    s1p, _ = _s1_kernel(degp, xp, ei)
    bvec, zself = _t2(s1p.reshape(2 * R, 128), s1p.reshape(2 * R, 128),
                      degp2, degp2, xp.reshape(R, 128),
                      W1, b1.reshape(1, 128), W2.reshape(1, 128))

    outp = _out_kernel(bvec.reshape(NPAD), ei).reshape(2 * R, 128)
    out = _t3(outp, degp2, zself, b2.reshape(1, 1))
    return out.reshape(NPAD)[:N][:, None]

# --- scband reference (transcript-rebuilt; emitter-appended) ---
"""Pipeline reference for scband-diffusion-gcn-14431090114615 (READ-ONLY COPY).

The authoritative reference and input builder live on the scoring server;
editing this copy changes nothing except your own understanding.
"""

import jax, jax.numpy as jnp
import numpy as np

N_NODES = 50000
N_EDGES = 800000
HIDDEN = 128


def _gcn_conv(x, edge_index, W, b):
    n = x.shape[0]
    src = edge_index[0]
    dst = edge_index[1]
    # add self-loops (PyG GCNConv default add_self_loops=True)
    loop = jnp.arange(n, dtype=src.dtype)
    src = jnp.concatenate([src, loop])
    dst = jnp.concatenate([dst, loop])
    # symmetric normalization: deg computed on dst (col) with unit edge weights
    deg = jnp.zeros((n,), dtype=x.dtype).at[dst].add(1.0)
    deg_inv_sqrt = jnp.where(deg > 0, deg ** -0.5, 0.0)
    norm = deg_inv_sqrt[src] * deg_inv_sqrt[dst]
    h = x @ W
    msg = h[src] * norm[:, None]
    out = jnp.zeros((n, W.shape[1]), dtype=x.dtype).at[dst].add(msg)
    return out + b


def setup_inputs(seed: int = 0) -> dict:
    key = jax.random.key(seed)
    k_x, k_e, k_w1, k_b1, k_w2, k_b2 = jax.random.split(key, 6)
    x = jax.random.normal(k_x, (N_NODES, 1), dtype=jnp.float32)
    edge_index = jax.random.randint(k_e, (2, N_EDGES), 0, N_NODES, dtype=jnp.int64)
    # glorot-ish init for GCN weights
    W1 = jax.random.normal(k_w1, (1, HIDDEN), dtype=jnp.float32) * (1.0 / np.sqrt(1 + HIDDEN))
    b1 = jnp.zeros((HIDDEN,), dtype=jnp.float32)
    W2 = jax.random.normal(k_w2, (HIDDEN, 1), dtype=jnp.float32) * (1.0 / np.sqrt(HIDDEN + 1))
    b2 = jnp.zeros((1,), dtype=jnp.float32)
    return {"x": x, "edge_index": edge_index, "W1": W1, "b1": b1, "W2": W2, "b2": b2}


def reference(x, edge_index, W1, b1, W2, b2):
    h = _gcn_conv(x, edge_index, W1, b1)
    h = jax.nn.relu(h)
    h = _gcn_conv(h, edge_index, W2, b2)
    return h

if __name__ == "__main__":
    import jax
    _d = setup_inputs()
    print(jax.jit(kernel)(*tuple(_d.values())))

</pallas_src>

<mosaic_0001>
#map = affine_map<(d0, d1) -> (0)>
#map1 = affine_map<(d0, d1) -> (0, 0)>
module attributes {stable_mosaic.version = 14 : i64} {
  func.func @_s1_kernel(%arg0: i32, %arg1: i32, %arg2: memref<100352xf32, #tpu.memory_space<hbm>>, %arg3: memref<50176xf32, #tpu.memory_space<hbm>>, %arg4: memref<2x800000xi32, #tpu.memory_space<hbm>>, %arg5: memref<100352xf32, #tpu.memory_space<hbm>>, %arg6: memref<100352xf32, #tpu.memory_space<hbm>>, %arg7: memref<50176xf32, #tpu.memory_space<vmem>>, %arg8: memref<2x25088xi32, #tpu.memory_space<vmem>>, %arg9: memref<25088xf32, #tpu.memory_space<vmem>>, %arg10: memref<50176xf32, #tpu.memory_space<vmem_shared>>, %arg11: memref<!tpu.dma_semaphore, #tpu.memory_space<semaphore_mem>>, %arg12: memref<!tpu.dma_semaphore, #tpu.memory_space<semaphore_mem>>, %arg13: memref<!tpu.dma_semaphore, #tpu.memory_space<semaphore_mem>>) attributes {dimension_semantics = [#tpu.dimension_semantics<core_parallel>, #tpu.dimension_semantics<subcore_parallel>], iteration_bounds = array<i64: 2, 16>, scalar_prefetch = 0 : i64, scratch_operands = 7 : i64, tpu.core_type = #tpu.core_type<sc_vector_subcore>, window_params = [{transform_indices = #map}, {transform_indices = #map}, {transform_indices = #map1}, {transform_indices = #map}, {transform_indices = #map}]} {
    %mul3A = arith.constant 16 : i32
    %mul3A_0 = arith.muli %arg0, %mul3A : i32
    %add3A = arith.addi %mul3A_0, %arg1 : i32
    %mul3A_1 = arith.constant 25088 : i32
    %mul3A_2 = arith.muli %add3A, %mul3A_1 : i32
    %min3A = arith.constant 774912 : i32
    %min3A_3 = arith.minsi %mul3A_2, %min3A : i32
    %eq3A = arith.constant 31 : i32
    %eq3A_4 = arith.cmpi eq, %add3A, %eq3A : i32
    %jit3A = arith.constant 22 : i32
    %jit3A_5 = arith.constant 0 : i32
    %select_n3A = arith.select %eq3A_4, %jit3A, %jit3A_5 : i32
    %dma_start3A = arith.constant 0 : i32
    %dma_start3A_6 = tpu.memref_slice %arg4[%dma_start3A, %min3A_3] : memref<2x800000xi32, #tpu.memory_space<hbm>> -> memref<2x25088xi32, #tpu.memory_space<hbm>>
    %dma_start3A_7 = arith.constant 0 : i32
    %dma_start3A_8 = tpu.memref_slice %arg4[%dma_start3A_7, %min3A_3] : memref<2x800000xi32, #tpu.memory_space<hbm>> -> memref<2x25088xi32, #tpu.memory_space<hbm>>
    tpu.enqueue_dma source(%dma_start3A_8 : memref<2x25088xi32, #tpu.memory_space<hbm>>) target(%arg8 : memref<2x25088xi32, #tpu.memory_space<vmem>>) target_semaphore(%arg11 : memref<!tpu.dma_semaphore, #tpu.memory_space<semaphore_mem>>)
    %mul3A_9 = arith.constant 3136 : i32
    %mul3A_10 = arith.muli %arg1, %mul3A_9 : i32
    %dma_start3A_11 = arith.constant 0 : i32
    %dma_start3A_12 = tpu.memref_slice %arg9[%dma_start3A_11] : memref<25088xf32, #tpu.memory_space<vmem>> -> memref<3136xf32, #tpu.memory_space<vmem>>
    %dma_start3A_13 = tpu.memref_slice %arg2[%mul3A_10] : memref<100352xf32, #tpu.memory_space<hbm>> -> memref<3136xf32, #tpu.memory_space<hbm>>
    %dma_start3A_14 = arith.constant 0 : i32
    %dma_start3A_15 = tpu.memref_slice %arg9[%dma_start3A_14] : memref<25088xf32, #tpu.memory_space<vmem>> -> memref<3136xf32, #tpu.memory_space<vmem>>
    %dma_start3A_16 = tpu.memref_slice %arg2[%mul3A_10] : memref<100352xf32, #tpu.memory_space<hbm>> -> memref<3136xf32, #tpu.memory_space<hbm>>
    tpu.enqueue_dma source(%dma_start3A_16 : memref<3136xf32, #tpu.memory_space<hbm>>) target(%dma_start3A_15 : memref<3136xf32, #tpu.memory_space<vmem>>) target_semaphore(%arg12 : memref<!tpu.dma_semaphore, #tpu.memory_space<semaphore_mem>>)
    %mul3A_17 = arith.constant 3136 : i32
    %mul3A_18 = arith.muli %arg1, %mul3A_17 : i32
    %add3A_19 = arith.constant 50176 : i32
    %add3A_20 = arith.addi %add3A_19, %mul3A_18 : i32
    %dma_start3A_21 = arith.constant 3136 : i32
    %dma_start3A_22 = tpu.memref_slice %arg9[%dma_start3A_21] : memref<25088xf32, #tpu.memory_space<vmem>> -> memref<3136xf32, #tpu.memory_space<vmem>>
    %dma_start3A_23 = tpu.memref_slice %arg2[%add3A_20] : memref<100352xf32, #tpu.memory_space<hbm>> -> memref<3136xf32, #tpu.memory_space<hbm>>
    %dma_start3A_24 = arith.constant 3136 : i32
    %dma_start3A_25 = tpu.memref_slice %arg9[%dma_start3A_24] : memref<25088xf32, #tpu.memory_space<vmem>> -> memref<3136xf32, #tpu.memory_space<vmem>>
    %dma_start3A_26 = tpu.memref_slice %arg2[%add3A_20] : memref<100352xf32, #tpu.memory_space<hbm>> -> memref<3136xf32, #tpu.memory_space<hbm>>
    tpu.enqueue_dma source(%dma_start3A_26 : memref<3136xf32, #tpu.memory_space<hbm>>) target(%dma_start3A_25 : memref<3136xf32, #tpu.memory_space<vmem>>) target_semaphore(%arg12 : memref<!tpu.dma_semaphore, #tpu.memory_space<semaphore_mem>>)
    %mul3A_27 = arith.constant 3136 : i32
    %mul3A_28 = arith.muli %arg1, %mul3A_27 : i32
    %dma_start3A_29 = arith.constant 6272 : i32
    %dma_start3A_30 = tpu.memref_slice %arg9[%dma_start3A_29] : memref<25088xf32, #tpu.memory_space<vmem>> -> memref<3136xf32, #tpu.memory_space<vmem>>
    %dma_start3A_31 = tpu.memref_slice %arg3[%mul3A_28] : memref<50176xf32, #tpu.memory_space<hbm>> -> memref<3136xf32, #tpu.memory_space<hbm>>
    %dma_start3A_32 = arith.constant 6272 : i32
    %dma_start3A_33 = tpu.memref_slice %arg9[%dma_start3A_32] : memref<25088xf32, #tpu.memory_space<vmem>> -> memref<3136xf32, #tpu.memory_space<vmem>>
    %dma_start3A_34 = tpu.memref_slice %arg3[%mul3A_28] : memref<50176xf32, #tpu.memory_space<hbm>> -> memref<3136xf32, #tpu.memory_space<hbm>>
    tpu.enqueue_dma source(%dma_start3A_34 : memref<3136xf32, #tpu.memory_space<hbm>>) target(%dma_start3A_33 : memref<3136xf32, #tpu.memory_space<vmem>>) target_semaphore(%arg12 : memref<!tpu.dma_semaphore, #tpu.memory_space<semaphore_mem>>)
    %scan3A = arith.constant 0 : i32
    %scan3A_35 = arith.constant 0 : i32
    %scan3A_36 = arith.constant 196 : i32
    %scan3A_37 = arith.addi %scan3A_35, %scan3A_36 : i32
    %scan3A_38 = arith.constant 1 : i32
    %scan3A_39 = scf.for %scan3A_109 = %scan3A_35 to %scan3A_37 step %scan3A_38 iter_args(%scan3A_110 = %scan3A) -> (i32)  : i32 {
      %broadcast_in_dim3A = arith.constant 0.000000e+00 : f32
      %broadcast_in_dim3A_111 = vector.broadcast %broadcast_in_dim3A : f32 to vector<16xf32>
      %mul3A_112 = arith.constant 16 : i32
      %mul3A_113 = arith.muli %scan3A_109, %mul3A_112 : i32
      %add3A_114 = arith.constant 9408 : i32
      %add3A_115 = arith.addi %add3A_114, %mul3A_113 : i32
      %swap3A = arith.index_cast %add3A_115 : i32 to index
      %swap3A_116 = tpu.vector_load %arg9[%swap3A] {strides = array<i32>} : memref<25088xf32, #tpu.memory_space<vmem>>, vector<16xf32>,
      tpu.vector_store %arg9[%swap3A], %broadcast_in_dim3A_111 {strides = array<i32>} : memref<25088xf32, #tpu.memory_space<vmem>>, vector<16xf32>,
      %scan3A_117 = arith.constant 0 : i32
      scf.yield %scan3A_117 : i32
    }
    %scan3A_40 = arith.constant 196 : i32
    %mul3A_41 = arith.constant 3136 : i32
    %mul3A_42 = arith.muli %arg1, %mul3A_41 : i32
    "tpu.region"() ({
      %run_scoped3A = tpu.sem_alloc : memref<!tpu.dma_semaphore, #tpu.memory_space<semaphore_mem>>
      %dma_start3A_109 = arith.constant 9408 : i32
      %dma_start3A_110 = tpu.memref_slice %arg9[%dma_start3A_109] : memref<25088xf32, #tpu.memory_space<vmem>> -> memref<3136xf32, #tpu.memory_space<vmem>>
      %dma_start3A_111 = tpu.memref_slice %arg10[%mul3A_42] : memref<50176xf32, #tpu.memory_space<vmem_shared>> -> memref<3136xf32, #tpu.memory_space<vmem_shared>>
      %dma_start3A_112 = tpu.memref_slice %arg10[%mul3A_42] : memref<50176xf32, #tpu.memory_space<vmem_shared>> -> memref<3136xf32, #tpu.memory_space<vmem_shared>>
      %dma_start3A_113 = arith.constant 9408 : i32
      %dma_start3A_114 = tpu.memref_slice %arg9[%dma_start3A_113] : memref<25088xf32, #tpu.memory_space<vmem>> -> memref<3136xf32, #tpu.memory_space<vmem>>
      tpu.enqueue_dma source(%dma_start3A_114 : memref<3136xf32, #tpu.memory_space<vmem>>) target(%dma_start3A_112 : memref<3136xf32, #tpu.memory_space<vmem_shared>>) target_semaphore(%run_scoped3A : memref<!tpu.dma_semaphore, #tpu.memory_space<semaphore_mem>>)
      %dma_wait3A_115 = arith.constant 9408 : i32
      %dma_wait3A_116 = tpu.memref_slice %arg9[%dma_wait3A_115] : memref<25088xf32, #tpu.memory_space<vmem>> -> memref<3136xf32, #tpu.memory_space<vmem>>
      %dma_wait3A_117 = tpu.memref_slice %arg10[%mul3A_42] : memref<50176xf32, #tpu.memory_space<vmem_shared>> -> memref<3136xf32, #tpu.memory_space<vmem_shared>>
      %dma_wait3A_118 = tpu.memref_slice %arg10[%mul3A_42] : memref<50176xf32, #tpu.memory_space<vmem_shared>> -> memref<3136xf32, #tpu.memory_space<vmem_shared>>
      %dma_wait3A_119 = arith.constant 9408 : i32
      %dma_wait3A_120 = tpu.memref_slice %arg9[%dma_wait3A_119] : memref<25088xf32, #tpu.memory_space<vmem>> -> memref<3136xf32, #tpu.memory_space<vmem>>
      tpu.wait_dma2 semaphore(%run_scoped3A : memref<!tpu.dma_semaphore, #tpu.memory_space<semaphore_mem>>) src(%dma_wait3A_120 : memref<3136xf32, #tpu.memory_space<vmem>>) dst(%dma_wait3A_118 : memref<3136xf32, #tpu.memory_space<vmem_shared>>)
      tpu.yield
    }) : () -> ()
    %dma_wait3A = arith.constant 0 : i32
    %dma_wait3A_43 = tpu.memref_slice %arg9[%dma_wait3A] : memref<25088xf32, #tpu.memory_space<vmem>> -> memref<3136xf32, #tpu.memory_space<vmem>>
    %dma_wait3A_44 = tpu.memref_slice %arg2[%mul3A_10] : memref<100352xf32, #tpu.memory_space<hbm>> -> memref<3136xf32, #tpu.memory_space<hbm>>
    %dma_wait3A_45 = arith.constant 0 : i32
    %dma_wait3A_46 = tpu.memref_slice %arg9[%dma_wait3A_45] : memref<25088xf32, #tpu.memory_space<vmem>> -> memref<3136xf32, #tpu.memory_space<vmem>>
    %dma_wait3A_47 = tpu.memref_slice %arg2[%mul3A_10] : memref<100352xf32, #tpu.memory_space<hbm>> -> memref<3136xf32, #tpu.memory_space<hbm>>
    tpu.wait_dma2 semaphore(%arg12 : memref<!tpu.dma_semaphore, #tpu.memory_space<semaphore_mem>>) src(%dma_wait3A_47 : memref<3136xf32, #tpu.memory_space<hbm>>) dst(%dma_wait3A_46 : memref<3136xf32, #tpu.memory_space<vmem>>)
    %dma_wait3A_48 = arith.constant 3136 : i32
    %dma_wait3A_49 = tpu.memref_slice %arg9[%dma_wait3A_48] : memref<25088xf32, #tpu.memory_space<vmem>> -> memref<3136xf32, #tpu.memory_space<vmem>>
    %dma_wait3A_50 = tpu.memref_slice %arg2[%add3A_20] : memref<100352xf32, #tpu.memory_space<hbm>> -> memref<3136xf32, #tpu.memory_space<hbm>>
    %dma_wait3A_51 = arith.constant 3136 : i32
    %dma_wait3A_52 = tpu.memref_slice %arg9[%dma_wait3A_51] : memref<25088xf32, #tpu.memory_space<vmem>> -> memref<3136xf32, #tpu.memory_space<vmem>>
    %dma_wait3A_53 = tpu.memref_slice %arg2[%add3A_20] : memref<100352xf32, #tpu.memory_space<hbm>> -> memref<3136xf32, #tpu.memory_space<hbm>>
    tpu.wait_dma2 semaphore(%arg12 : memref<!tpu.dma_semaphore, #tpu.memory_space<semaphore_mem>>) src(%dma_wait3A_53 : memref<3136xf32, #tpu.memory_space<hbm>>) dst(%dma_wait3A_52 : memref<3136xf32, #tpu.memory_space<vmem>>)
    %dma_wait3A_54 = arith.constant 6272 : i32
    %dma_wait3A_55 = tpu.memref_slice %arg9[%dma_wait3A_54] : memref<25088xf32, #tpu.memory_space<vmem>> -> memref<3136xf32, #tpu.memory_space<vmem>>
    %dma_wait3A_56 = tpu.memref_slice %arg3[%mul3A_28] : memref<50176xf32, #tpu.memory_space<hbm>> -> memref<3136xf32, #tpu.memory_space<hbm>>
    %dma_wait3A_57 = arith.constant 6272 : i32
    %dma_wait3A_58 = tpu.memref_slice %arg9[%dma_wait3A_57] : memref<25088xf32, #tpu.memory_space<vmem>> -> memref<3136xf32, #tpu.memory_space<vmem>>
    %dma_wait3A_59 = tpu.memref_slice %arg3[%mul3A_28] : memref<50176xf32, #tpu.memory_space<hbm>> -> memref<3136xf32, #tpu.memory_space<hbm>>
    tpu.wait_dma2 semaphore(%arg12 : memref<!tpu.dma_semaphore, #tpu.memory_space<semaphore_mem>>) src(%dma_wait3A_59 : memref<3136xf32, #tpu.memory_space<hbm>>) dst(%dma_wait3A_58 : memref<3136xf32, #tpu.memory_space<vmem>>)
    %scan3A_60 = arith.constant 0 : i32
    %scan3A_61 = arith.constant 0 : i32
    %scan3A_62 = arith.constant 196 : i32
    %scan3A_63 = arith.addi %scan3A_61, %scan3A_62 : i32
    %scan3A_64 = arith.constant 1 : i32
    %scan3A_65 = scf.for %scan3A_109 = %scan3A_61 to %scan3A_63 step %scan3A_64 iter_args(%scan3A_110 = %scan3A_60) -> (i32)  : i32 {
      %mul3A_111 = arith.constant 16 : i32
      %mul3A_112 = arith.muli %scan3A_109, %mul3A_111 : i32
      %get3A = arith.index_cast %mul3A_112 : i32 to index
      %get3A_113 = tpu.vector_load %arg9[%get3A] {strides = array<i32>} : memref<25088xf32, #tpu.memory_space<vmem>>, vector<16xf32>,
      %mul3A_114 = arith.constant 16 : i32
      %mul3A_115 = arith.muli %scan3A_109, %mul3A_114 : i32
      %add3A_116 = arith.constant 3136 : i32
      %add3A_117 = arith.addi %add3A_116, %mul3A_115 : i32
      %get3A_118 = arith.index_cast %add3A_117 : i32 to index
      %get3A_119 = tpu.vector_load %arg9[%get3A_118] {strides = array<i32>} : memref<25088xf32, #tpu.memory_space<vmem>>, vector<16xf32>,
      %add3A_120 = arith.addf %get3A_113, %get3A_119 : vector<16xf32>
      %add3A_121 = arith.constant 1.000000e+00 : f32
      %add3A_122 = vector.broadcast %add3A_121 : f32 to vector<16xf32>
      %add3A_123 = arith.addf %add3A_120, %add3A_122 : vector<16xf32>
      %mul3A_124 = arith.constant 16 : i32
      %mul3A_125 = arith.muli %scan3A_109, %mul3A_124 : i32
      %add3A_126 = arith.constant 6272 : i32
      %add3A_127 = arith.addi %add3A_126, %mul3A_125 : i32
      %get3A_128 = arith.index_cast %add3A_127 : i32 to index
      %get3A_129 = tpu.vector_load %arg9[%get3A_128] {strides = array<i32>} : memref<25088xf32, #tpu.memory_space<vmem>>, vector<16xf32>,
      %bitcast3A = vector.bitcast %add3A_123 : vector<16xf32> to vector<16xi32>
      %shift_right_arithmetic3A = arith.constant 1 : i32
      %shift_right_arithmetic3A_130 = vector.broadcast %shift_right_arithmetic3A : i32 to vector<16xi32>
      %shift_right_arithmetic3A_131 = arith.shrsi %bitcast3A, %shift_right_arithmetic3A_130 : vector<16xi32>
      %sub3A = arith.constant 1597463007 : i32
      %sub3A_132 = vector.broadcast %sub3A : i32 to vector<16xi32>
      %sub3A_133 = arith.subi %sub3A_132, %shift_right_arithmetic3A_131 : vector<16xi32>
      %bitcast3A_134 = vector.bitcast %sub3A_133 : vector<16xi32> to vector<16xf32>
      %mul3A_135 = arith.constant 5.000000e-01 : f32
      %mul3A_136 = vector.broadcast %mul3A_135 : f32 to vector<16xf32>
      %mul3A_137 = arith.mulf %mul3A_136, %add3A_123 : vector<16xf32>
      %mul3A_138 = arith.mulf %mul3A_137, %bitcast3A_134 : vector<16xf32>
      %mul3A_139 = arith.mulf %mul3A_138, %bitcast3A_134 : vector<16xf32>
      %sub3A_140 = arith.constant 1.500000e+00 : f32
      %sub3A_141 = vector.broadcast %sub3A_140 : f32 to vector<16xf32>
      %sub3A_142 = arith.subf %sub3A_141, %mul3A_139 : vector<16xf32>
      %mul3A_143 = arith.mulf %bitcast3A_134, %sub3A_142 : vector<16xf32>
      %mul3A_144 = arith.constant 5.000000e-01 : f32
      %mul3A_145 = vector.broadcast %mul3A_144 : f32 to vector<16xf32>
      %mul3A_146 = arith.mulf %mul3A_145, %add3A_123 : vector<16xf32>
      %mul3A_147 = arith.mulf %mul3A_146, %mul3A_143 : vector<16xf32>
      %mul3A_148 = arith.mulf %mul3A_147, %mul3A_143 : vector<16xf32>
      %sub3A_149 = arith.constant 1.500000e+00 : f32
      %sub3A_150 = vector.broadcast %sub3A_149 : f32 to vector<16xf32>
      %sub3A_151 = arith.subf %sub3A_150, %mul3A_148 : vector<16xf32>
      %mul3A_152 = arith.mulf %mul3A_143, %sub3A_151 : vector<16xf32>
      %mul3A_153 = arith.constant 5.000000e-01 : f32
      %mul3A_154 = vector.broadcast %mul3A_153 : f32 to vector<16xf32>
      %mul3A_155 = arith.mulf %mul3A_154, %add3A_123 : vector<16xf32>
      %mul3A_156 = arith.mulf %mul3A_155, %mul3A_152 : vector<16xf32>
      %mul3A_157 = arith.mulf %mul3A_156, %mul3A_152 : vector<16xf32>
      %sub3A_158 = arith.constant 1.500000e+00 : f32
      %sub3A_159 = vector.broadcast %sub3A_158 : f32 to vector<16xf32>
      %sub3A_160 = arith.subf %sub3A_159, %mul3A_157 : vector<16xf32>
      %mul3A_161 = arith.mulf %mul3A_152, %sub3A_160 : vector<16xf32>
      %mul3A_162 = arith.mulf %get3A_129, %mul3A_161 : vector<16xf32>
      %mul3A_163 = arith.constant 16 : i32
      %mul3A_164 = arith.muli %scan3A_109, %mul3A_163 : i32
      %add3A_165 = arith.constant 9408 : i32
      %add3A_166 = arith.addi %add3A_165, %mul3A_164 : i32
      %swap3A = arith.index_cast %add3A_166 : i32 to index
      %swap3A_167 = tpu.vector_load %arg9[%swap3A] {strides = array<i32>} : memref<25088xf32, #tpu.memory_space<vmem>>, vector<16xf32>,
      tpu.vector_store %arg9[%swap3A], %mul3A_162 {strides = array<i32>} : memref<25088xf32, #tpu.memory_space<vmem>>, vector<16xf32>,
      %scan3A_168 = arith.constant 0 : i32
      scf.yield %scan3A_168 : i32
    }
    %scan3A_66 = arith.constant 196 : i32
    %mul3A_67 = arith.constant 50176 : i32
    %mul3A_68 = arith.muli %arg0, %mul3A_67 : i32
    %mul3A_69 = arith.constant 3136 : i32
    %mul3A_70 = arith.muli %arg1, %mul3A_69 : i32
    %add3A_71 = arith.addi %mul3A_68, %mul3A_70 : i32
    "tpu.region"() ({
      %run_scoped3A = tpu.sem_alloc : memref<!tpu.dma_semaphore, #tpu.memory_space<semaphore_mem>>
      %dma_start3A_109 = arith.constant 9408 : i32
      %dma_start3A_110 = tpu.memref_slice %arg9[%dma_start3A_109] : memref<25088xf32, #tpu.memory_space<vmem>> -> memref<3136xf32, #tpu.memory_space<vmem>>
      %dma_start3A_111 = tpu.memref_slice %arg6[%add3A_71] : memref<100352xf32, #tpu.memory_space<hbm>> -> memref<3136xf32, #tpu.memory_space<hbm>>
      %dma_start3A_112 = tpu.memref_slice %arg6[%add3A_71] : memref<100352xf32, #tpu.memory_space<hbm>> -> memref<3136xf32, #tpu.memory_space<hbm>>
      %dma_start3A_113 = arith.constant 9408 : i32
      %dma_start3A_114 = tpu.memref_slice %arg9[%dma_start3A_113] : memref<25088xf32, #tpu.memory_space<vmem>> -> memref<3136xf32, #tpu.memory_space<vmem>>
      tpu.enqueue_dma source(%dma_start3A_114 : memref<3136xf32, #tpu.memory_space<vmem>>) target(%dma_start3A_112 : memref<3136xf32, #tpu.memory_space<hbm>>) target_semaphore(%run_scoped3A : memref<!tpu.dma_semaphore, #tpu.memory_space<semaphore_mem>>)
      %dma_wait3A_115 = arith.constant 9408 : i32
      %dma_wait3A_116 = tpu.memref_slice %arg9[%dma_wait3A_115] : memref<25088xf32, #tpu.memory_space<vmem>> -> memref<3136xf32, #tpu.memory_space<vmem>>
      %dma_wait3A_117 = tpu.memref_slice %arg6[%add3A_71] : memref<100352xf32, #tpu.memory_space<hbm>> -> memref<3136xf32, #tpu.memory_space<hbm>>
      %dma_wait3A_118 = tpu.memref_slice %arg6[%add3A_71] : memref<100352xf32, #tpu.memory_space<hbm>> -> memref<3136xf32, #tpu.memory_space<hbm>>
      %dma_wait3A_119 = arith.constant 9408 : i32
      %dma_wait3A_120 = tpu.memref_slice %arg9[%dma_wait3A_119] : memref<25088xf32, #tpu.memory_space<vmem>> -> memref<3136xf32, #tpu.memory_space<vmem>>
      tpu.wait_dma2 semaphore(%run_scoped3A : memref<!tpu.dma_semaphore, #tpu.memory_space<semaphore_mem>>) src(%dma_wait3A_120 : memref<3136xf32, #tpu.memory_space<vmem>>) dst(%dma_wait3A_118 : memref<3136xf32, #tpu.memory_space<hbm>>)
      tpu.yield
    }) : () -> ()
    %barrier3A = arith.constant 0 : index
    tpu.barrier barrier_id(%barrier3A)
    %mul3A_72 = arith.constant 50176 : i32
    %mul3A_73 = arith.muli %arg0, %mul3A_72 : i32
    "tpu.region"() ({
      %run_scoped3A = tpu.sem_alloc : memref<!tpu.dma_semaphore, #tpu.memory_space<semaphore_mem>>
      %dma_start3A_109 = tpu.memref_slice %arg6[%mul3A_73] : memref<100352xf32, #tpu.memory_space<hbm>> -> memref<50176xf32, #tpu.memory_space<hbm>>
      %dma_start3A_110 = tpu.memref_slice %arg6[%mul3A_73] : memref<100352xf32, #tpu.memory_space<hbm>> -> memref<50176xf32, #tpu.memory_space<hbm>>
      tpu.enqueue_dma source(%dma_start3A_110 : memref<50176xf32, #tpu.memory_space<hbm>>) target(%arg7 : memref<50176xf32, #tpu.memory_space<vmem>>) target_semaphore(%run_scoped3A : memref<!tpu.dma_semaphore, #tpu.memory_space<semaphore_mem>>)
      %dma_wait3A_111 = tpu.memref_slice %arg6[%mul3A_73] : memref<100352xf32, #tpu.memory_space<hbm>> -> memref<50176xf32, #tpu.memory_space<hbm>>
      %dma_wait3A_112 = tpu.memref_slice %arg6[%mul3A_73] : memref<100352xf32, #tpu.memory_space<hbm>> -> memref<50176xf32, #tpu.memory_space<hbm>>
      tpu.wait_dma2 semaphore(%run_scoped3A : memref<!tpu.dma_semaphore, #tpu.memory_space<semaphore_mem>>) src(%dma_wait3A_112 : memref<50176xf32, #tpu.memory_space<hbm>>) dst(%arg7 : memref<50176xf32, #tpu.memory_space<vmem>>)
      tpu.yield
    }) : () -> ()
    %dma_wait3A_74 = arith.constant 0 : i32
    %dma_wait3A_75 = tpu.memref_slice %arg4[%dma_wait3A_74, %min3A_3] : memref<2x800000xi32, #tpu.memory_space<hbm>> -> memref<2x25088xi32, #tpu.memory_space<hbm>>
    %dma_wait3A_76 = arith.constant 0 : i32
    %dma_wait3A_77 = tpu.memref_slice %arg4[%dma_wait3A_76, %min3A_3] : memref<2x800000xi32, #tpu.memory_space<hbm>> -> memref<2x25088xi32, #tpu.memory_space<hbm>>
    tpu.wait_dma2 semaphore(%arg11 : memref<!tpu.dma_semaphore, #tpu.memory_space<semaphore_mem>>) src(%dma_wait3A_77 : memref<2x25088xi32, #tpu.memory_space<hbm>>) dst(%arg8 : memref<2x25088xi32, #tpu.memory_space<vmem>>)
    %while3A = arith.constant 196 : i32
    %while3A_78 = arith.constant 0 : i32
    %while3A_79 = arith.subi %while3A, %select_n3A : i32
    %while3A_80 = arith.addi %select_n3A, %while3A_79 : i32
    %while3A_81 = arith.constant 1 : i32
    %while3A_82 = arith.divsi %while3A_79, %while3A_81 : i32
    %while3A_83 = arith.muli %while3A_82, %while3A_81 : i32
    %while3A_84 = arith.addi %select_n3A, %while3A_83 : i32
    %while3A_85 = arith.constant 1 : i32
    %while3A_86 = scf.for %while3A_109 = %select_n3A to %while3A_84 step %while3A_85 iter_args(%while3A_110 = %while3A_78) -> (i32)  : i32 {
      %mul3A_111 = arith.constant 128 : i32
      %mul3A_112 = arith.muli %while3A_109, %mul3A_111 : i32
      %add3A_113 = arith.constant 0 : i32
      %add3A_114 = arith.addi %mul3A_112, %add3A_113 : i32
      %get3A = arith.constant 0 : i32
      %get3A_115 = arith.index_cast %get3A : i32 to index
      %get3A_116 = arith.index_cast %add3A_114 : i32 to index
      %get3A_117 = tpu.vector_load %arg8[%get3A_115, %get3A_116] {strides = array<i32>} : memref<2x25088xi32, #tpu.memory_space<vmem>>, vector<16xi32>,
      %gather3A = tpu.vector_load_idx %arg7[%get3A_117] : memref<50176xf32, #tpu.memory_space<vmem>>[vector<16xi32>], vector<16xf32>,
      %mul3A_118 = arith.constant 128 : i32
      %mul3A_119 = arith.muli %while3A_109, %mul3A_118 : i32
      %add3A_120 = arith.constant 0 : i32
      %add3A_121 = arith.addi %mul3A_119, %add3A_120 : i32
      %swap3A = arith.index_cast %add3A_121 : i32 to index
      %swap3A_122 = tpu.vector_load %arg9[%swap3A] {strides = array<i32>} : memref<25088xf32, #tpu.memory_space<vmem>>, vector<16xf32>,
      tpu.vector_store %arg9[%swap3A], %gather3A {strides = array<i32>} : memref<25088xf32, #tpu.memory_space<vmem>>, vector<16xf32>,
      %mul3A_123 = arith.constant 128 : i32
      %mul3A_124 = arith.muli %while3A_109, %mul3A_123 : i32
      %add3A_125 = arith.constant 16 : i32
      %add3A_126 = arith.addi %mul3A_124, %add3A_125 : i32
      %get3A_127 = arith.constant 0 : i32
      %get3A_128 = arith.index_cast %get3A_127 : i32 to index
      %get3A_129 = arith.index_cast %add3A_126 : i32 to index
      %get3A_130 = tpu.vector_load %arg8[%get3A_128, %get3A_129] {strides = array<i32>} : memref<2x25088xi32, #tpu.memory_space<vmem>>, vector<16xi32>,
      %gather3A_131 = tpu.vector_load_idx %arg7[%get3A_130] : memref<50176xf32, #tpu.memory_space<vmem>>[vector<16xi32>], vector<16xf32>,
      %mul3A_132 = arith.constant 128 : i32
      %mul3A_133 = arith.muli %while3A_109, %mul3A_132 : i32
      %add3A_134 = arith.constant 16 : i32
      %add3A_135 = arith.addi %mul3A_133, %add3A_134 : i32
      %swap3A_136 = arith.index_cast %add3A_135 : i32 to index
      %swap3A_137 = tpu.vector_load %arg9[%swap3A_136] {strides = array<i32>} : memref<25088xf32, #tpu.memory_space<vmem>>, vector<16xf32>,
      tpu.vector_store %arg9[%swap3A_136], %gather3A_131 {strides = array<i32>} : memref<25088xf32, #tpu.memory_space<vmem>>, vector<16xf32>,
      %mul3A_138 = arith.constant 128 : i32
      %mul3A_139 = arith.muli %while3A_109, %mul3A_138 : i32
      %add3A_140 = arith.constant 32 : i32
      %add3A_141 = arith.addi %mul3A_139, %add3A_140 : i32
      %get3A_142 = arith.constant 0 : i32
      %get3A_143 = arith.index_cast %get3A_142 : i32 to index
      %get3A_144 = arith.index_cast %add3A_141 : i32 to index
      %get3A_145 = tpu.vector_load %arg8[%get3A_143, %get3A_144] {strides = array<i32>} : memref<2x25088xi32, #tpu.memory_space<vmem>>, vector<16xi32>,
      %gather3A_146 = tpu.vector_load_idx %arg7[%get3A_145] : memref<50176xf32, #tpu.memory_space<vmem>>[vector<16xi32>], vector<16xf32>,
      %mul3A_147 = arith.constant 128 : i32
      %mul3A_148 = arith.muli %while3A_109, %mul3A_147 : i32
      %add3A_149 = arith.constant 32 : i32
      %add3A_150 = arith.addi %mul3A_148, %add3A_149 : i32
      %swap3A_151 = arith.index_cast %add3A_150 : i32 to index
      %swap3A_152 = tpu.vector_load %arg9[%swap3A_151] {strides = array<i32>} : memref<25088xf32, #tpu.memory_space<vmem>>, vector<16xf32>,
      tpu.vector_store %arg9[%swap3A_151], %gather3A_146 {strides = array<i32>} : memref<25088xf32, #tpu.memory_space<vmem>>, vector<16xf32>,
      %mul3A_153 = arith.constant 128 : i32
      %mul3A_154 = arith.muli %while3A_109, %mul3A_153 : i32
      %add3A_155 = arith.constant 48 : i32
      %add3A_156 = arith.addi %mul3A_154, %add3A_155 : i32
      %get3A_157 = arith.constant 0 : i32
      %get3A_158 = arith.index_cast %get3A_157 : i32 to index
      %get3A_159 = arith.index_cast %add3A_156 : i32 to index
      %get3A_160 = tpu.vector_load %arg8[%get3A_158, %get3A_159] {strides = array<i32>} : memref<2x25088xi32, #tpu.memory_space<vmem>>, vector<16xi32>,
      %gather3A_161 = tpu.vector_load_idx %arg7[%get3A_160] : memref<50176xf32, #tpu.memory_space<vmem>>[vector<16xi32>], vector<16xf32>,
      %mul3A_162 = arith.constant 128 : i32
      %mul3A_163 = arith.muli %while3A_109, %mul3A_162 : i32
      %add3A_164 = arith.constant 48 : i32
      %add3A_165 = arith.addi %mul3A_163, %add3A_164 : i32
      %swap3A_166 = arith.index_cast %add3A_165 : i32 to index
      %swap3A_167 = tpu.vector_load %arg9[%swap3A_166] {strides = array<i32>} : memref<25088xf32, #tpu.memory_space<vmem>>, vector<16xf32>,
      tpu.vector_store %arg9[%swap3A_166], %gather3A_161 {strides = array<i32>} : memref<25088xf32, #tpu.memory_space<vmem>>, vector<16xf32>,
      %mul3A_168 = arith.constant 128 : i32
      %mul3A_169 = arith.muli %while3A_109, %mul3A_168 : i32
      %add3A_170 = arith.constant 64 : i32
      %add3A_171 = arith.addi %mul3A_169, %add3A_170 : i32
      %get3A_172 = arith.constant 0 : i32
      %get3A_173 = arith.index_cast %get3A_172 : i32 to index
      %get3A_174 = arith.index_cast %add3A_171 : i32 to index
      %get3A_175 = tpu.vector_load %arg8[%get3A_173, %get3A_174] {strides = array<i32>} : memref<2x25088xi32, #tpu.memory_space<vmem>>, vector<16xi32>,
      %gather3A_176 = tpu.vector_load_idx %arg7[%get3A_175] : memref<50176xf32, #tpu.memory_space<vmem>>[vector<16xi32>], vector<16xf32>,
      %mul3A_177 = arith.constant 128 : i32
      %mul3A_178 = arith.muli %while3A_109, %mul3A_177 : i32
      %add3A_179 = arith.constant 64 : i32
      %add3A_180 = arith.addi %mul3A_178, %add3A_179 : i32
      %swap3A_181 = arith.index_cast %add3A_180 : i32 to index
      %swap3A_182 = tpu.vector_load %arg9[%swap3A_181] {strides = array<i32>} : memref<25088xf32, #tpu.memory_space<vmem>>, vector<16xf32>,
      tpu.vector_store %arg9[%swap3A_181], %gather3A_176 {strides = array<i32>} : memref<25088xf32, #tpu.memory_space<vmem>>, vector<16xf32>,
      %mul3A_183 = arith.constant 128 : i32
      %mul3A_184 = arith.muli %while3A_109, %mul3A_183 : i32
      %add3A_185 = arith.constant 80 : i32
      %add3A_186 = arith.addi %mul3A_184, %add3A_185 : i32
      %get3A_187 = arith.constant 0 : i32
      %get3A_188 = arith.index_cast %get3A_187 : i32 to index
      %get3A_189 = arith.index_cast %add3A_186 : i32 to index
      %get3A_190 = tpu.vector_load %arg8[%get3A_188, %get3A_189] {strides = array<i32>} : memref<2x25088xi32, #tpu.memory_space<vmem>>, vector<16xi32>,
      %gather3A_191 = tpu.vector_load_idx %arg7[%get3A_190] : memref<50176xf32, #tpu.memory_space<vmem>>[vector<16xi32>], vector<16xf32>,
      %mul3A_192 = arith.constant 128 : i32
      %mul3A_193 = arith.muli %while3A_109, %mul3A_192 : i32
      %add3A_194 = arith.constant 80 : i32
      %add3A_195 = arith.addi %mul3A_193, %add3A_194 : i32
      %swap3A_196 = arith.index_cast %add3A_195 : i32 to index
      %swap3A_197 = tpu.vector_load %arg9[%swap3A_196] {strides = array<i32>} : memref<25088xf32, #tpu.memory_space<vmem>>, vector<16xf32>,
      tpu.vector_store %arg9[%swap3A_196], %gather3A_191 {strides = array<i32>} : memref<25088xf32, #tpu.memory_space<vmem>>, vector<16xf32>,
      %mul3A_198 = arith.constant 128 : i32
      %mul3A_199 = arith.muli %while3A_109, %mul3A_198 : i32
      %add3A_200 = arith.constant 96 : i32
      %add3A_201 = arith.addi %mul3A_199, %add3A_200 : i32
      %get3A_202 = arith.constant 0 : i32
      %get3A_203 = arith.index_cast %get3A_202 : i32 to index
      %get3A_204 = arith.index_cast %add3A_201 : i32 to index
      %get3A_205 = tpu.vector_load %arg8[%get3A_203, %get3A_204] {strides = array<i32>} : memref<2x25088xi32, #tpu.memory_space<vmem>>, vector<16xi32>,
      %gather3A_206 = tpu.vector_load_idx %arg7[%get3A_205] : memref<50176xf32, #tpu.memory_space<vmem>>[vector<16xi32>], vector<16xf32>,
      %mul3A_207 = arith.constant 128 : i32
      %mul3A_208 = arith.muli %while3A_109, %mul3A_207 : i32
      %add3A_209 = arith.constant 96 : i32
      %add3A_210 = arith.addi %mul3A_208, %add3A_209 : i32
      %swap3A_211 = arith.index_cast %add3A_210 : i32 to index
      %swap3A_212 = tpu.vector_load %arg9[%swap3A_211] {strides = array<i32>} : memref<25088xf32, #tpu.memory_space<vmem>>, vector<16xf32>,
      tpu.vector_store %arg9[%swap3A_211], %gather3A_206 {strides = array<i32>} : memref<25088xf32, #tpu.memory_space<vmem>>, vector<16xf32>,
      %mul3A_213 = arith.constant 128 : i32
      %mul3A_214 = arith.muli %while3A_109, %mul3A_213 : i32
      %add3A_215 = arith.constant 112 : i32
      %add3A_216 = arith.addi %mul3A_214, %add3A_215 : i32
      %get3A_217 = arith.constant 0 : i32
      %get3A_218 = arith.index_cast %get3A_217 : i32 to index
      %get3A_219 = arith.index_cast %add3A_216 : i32 to index
      %get3A_220 = tpu.vector_load %arg8[%get3A_218, %get3A_219] {strides = array<i32>} : memref<2x25088xi32, #tpu.memory_space<vmem>>, vector<16xi32>,
      %gather3A_221 = tpu.vector_load_idx %arg7[%get3A_220] : memref<50176xf32, #tpu.memory_space<vmem>>[vector<16xi32>], vector<16xf32>,
      %mul3A_222 = arith.constant 128 : i32
      %mul3A_223 = arith.muli %while3A_109, %mul3A_222 : i32
      %add3A_224 = arith.constant 112 : i32
      %add3A_225 = arith.addi %mul3A_223, %add3A_224 : i32
      %swap3A_226 = arith.index_cast %add3A_225 : i32 to index
      %swap3A_227 = tpu.vector_load %arg9[%swap3A_226] {strides = array<i32>} : memref<25088xf32, #tpu.memory_space<vmem>>, vector<16xf32>,
      tpu.vector_store %arg9[%swap3A_226], %gather3A_221 {strides = array<i32>} : memref<25088xf32, #tpu.memory_space<vmem>>, vector<16xf32>,
      %mul3A_228 = arith.constant 128 : i32
      %mul3A_229 = arith.muli %while3A_109, %mul3A_228 : i32
      %mul3A_230 = arith.constant 128 : i32
      %mul3A_231 = arith.muli %while3A_109, %mul3A_230 : i32
      %dma_start3A_232 = arith.constant 1 : i32
      %dma_start3A_233 = tpu.memref_slice %arg9[%mul3A_229] : memref<25088xf32, #tpu.memory_space<vmem>> -> memref<128xf32, #tpu.memory_space<vmem>>
      %dma_start3A_234 = tpu.memref_slice %arg8[%dma_start3A_232, %mul3A_231] : memref<2x25088xi32, #tpu.memory_space<vmem>> -> memref<1x128xi32, #tpu.memory_space<vmem>>
      %dma_start3A_235 = tpu.memref_squeeze %dma_start3A_234 : memref<1x128xi32, #tpu.memory_space<vmem>> -> memref<128xi32, #tpu.memory_space<vmem>>
      %dma_start3A_236 = arith.constant 0 : i32
      %dma_start3A_237 = tpu.memref_slice %arg10[%dma_start3A_236] : memref<50176xf32, #tpu.memory_space<vmem_shared>> -> memref<50176xf32, #tpu.memory_space<vmem_shared>>
      tpu.enqueue_indirect_dma source(%dma_start3A_233 : memref<128xf32, #tpu.memory_space<vmem>>) target(%dma_start3A_237 : memref<50176xf32, #tpu.memory_space<vmem_shared>>) offsets(%dma_start3A_235 : memref<128xi32, #tpu.memory_space<vmem>>) semaphore(%arg13 : memref<!tpu.dma_semaphore, #tpu.memory_space<semaphore_mem>>) {add = true}
      %while3A_238 = arith.constant 0 : i32
      scf.yield %while3A_238 : i32
    }
    %while3A_87 = arith.constant 1 : i32
    %while3A_88 = scf.for %while3A_109 = %while3A_84 to %while3A_80 step %while3A_87 iter_args(%while3A_110 = %while3A_86) -> (i32)  : i32 {
      %mul3A_111 = arith.constant 128 : i32
      %mul3A_112 = arith.muli %while3A_109, %mul3A_111 : i32
      %add3A_113 = arith.constant 0 : i32
      %add3A_114 = arith.addi %mul3A_112, %add3A_113 : i32
      %get3A = arith.constant 0 : i32
      %get3A_115 = arith.index_cast %get3A : i32 to index
      %get3A_116 = arith.index_cast %add3A_114 : i32 to index
      %get3A_117 = tpu.vector_load %arg8[%get3A_115, %get3A_116] {strides = array<i32>} : memref<2x25088xi32, #tpu.memory_space<vmem>>, vector<16xi32>,
      %gather3A = tpu.vector_load_idx %arg7[%get3A_117] : memref<50176xf32, #tpu.memory_space<vmem>>[vector<16xi32>], vector<16xf32>,
      %mul3A_118 = arith.constant 128 : i32
      %mul3A_119 = arith.muli %while3A_109, %mul3A_118 : i32
      %add3A_120 = arith.constant 0 : i32
      %add3A_121 = arith.addi %mul3A_119, %add3A_120 : i32
      %swap3A = arith.index_cast %add3A_121 : i32 to index
      %swap3A_122 = tpu.vector_load %arg9[%swap3A] {strides = array<i32>} : memref<25088xf32, #tpu.memory_space<vmem>>, vector<16xf32>,
      tpu.vector_store %arg9[%swap3A], %gather3A {strides = array<i32>} : memref<25088xf32, #tpu.memory_space<vmem>>, vector<16xf32>,
      %mul3A_123 = arith.constant 128 : i32
      %mul3A_124 = arith.muli %while3A_109, %mul3A_123 : i32
      %add3A_125 = arith.constant 16 : i32
      %add3A_126 = arith.addi %mul3A_124, %add3A_125 : i32
      %get3A_127 = arith.constant 0 : i32
      %get3A_128 = arith.index_cast %get3A_127 : i32 to index
      %get3A_129 = arith.index_cast %add3A_126 : i32 to index
      %get3A_130 = tpu.vector_load %arg8[%get3A_128, %get3A_129] {strides = array<i32>} : memref<2x25088xi32, #tpu.memory_space<vmem>>, vector<16xi32>,
      %gather3A_131 = tpu.vector_load_idx %arg7[%get3A_130] : memref<50176xf32, #tpu.memory_space<vmem>>[vector<16xi32>], vector<16xf32>,
      %mul3A_132 = arith.constant 128 : i32
      %mul3A_133 = arith.muli %while3A_109, %mul3A_132 : i32
      %add3A_134 = arith.constant 16 : i32
      %add3A_135 = arith.addi %mul3A_133, %add3A_134 : i32
      %swap3A_136 = arith.index_cast %add3A_135 : i32 to index
      %swap3A_137 = tpu.vector_load %arg9[%swap3A_136] {strides = array<i32>} : memref<25088xf32, #tpu.memory_space<vmem>>, vector<16xf32>,
      tpu.vector_store %arg9[%swap3A_136], %gather3A_131 {strides = array<i32>} : memref<25088xf32, #tpu.memory_space<vmem>>, vector<16xf32>,
      %mul3A_138 = arith.constant 128 : i32
      %mul3A_139 = arith.muli %while3A_109, %mul3A_138 : i32
      %add3A_140 = arith.constant 32 : i32
      %add3A_141 = arith.addi %mul3A_139, %add3A_140 : i32
      %get3A_142 = arith.constant 0 : i32
      %get3A_143 = arith.index_cast %get3A_142 : i32 to index
      %get3A_144 = arith.index_cast %add3A_141 : i32 to index
      %get3A_145 = tpu.vector_load %arg8[%get3A_143, %get3A_144] {strides = array<i32>} : memref<2x25088xi32, #tpu.memory_space<vmem>>, vector<16xi32>,
      %gather3A_146 = tpu.vector_load_idx %arg7[%get3A_145] : memref<50176xf32, #tpu.memory_space<vmem>>[vector<16xi32>], vector<16xf32>,
      %mul3A_147 = arith.constant 128 : i32
      %mul3A_148 = arith.muli %while3A_109, %mul3A_147 : i32
      %add3A_149 = arith.constant 32 : i32
      %add3A_150 = arith.addi %mul3A_148, %add3A_149 : i32
      %swap3A_151 = arith.index_cast %add3A_150 : i32 to index
      %swap3A_152 = tpu.vector_load %arg9[%swap3A_151] {strides = array<i32>} : memref<25088xf32, #tpu.memory_space<vmem>>, vector<16xf32>,
      tpu.vector_store %arg9[%swap3A_151], %gather3A_146 {strides = array<i32>} : memref<25088xf32, #tpu.memory_space<vmem>>, vector<16xf32>,
      %mul3A_153 = arith.constant 128 : i32
      %mul3A_154 = arith.muli %while3A_109, %mul3A_153 : i32
      %add3A_155 = arith.constant 48 : i32
      %add3A_156 = arith.addi %mul3A_154, %add3A_155 : i32
      %get3A_157 = arith.constant 0 : i32
      %get3A_158 = arith.index_cast %get3A_157 : i32 to index
      %get3A_159 = arith.index_cast %add3A_156 : i32 to index
      %get3A_160 = tpu.vector_load %arg8[%get3A_158, %get3A_159] {strides = array<i32>} : memref<2x25088xi32, #tpu.memory_space<vmem>>, vector<16xi32>,
      %gather3A_161 = tpu.vector_load_idx %arg7[%get3A_160] : memref<50176xf32, #tpu.memory_space<vmem>>[vector<16xi32>], vector<16xf32>,
      %mul3A_162 = arith.constant 128 : i32
      %mul3A_163 = arith.muli %while3A_109, %mul3A_162 : i32
      %add3A_164 = arith.constant 48 : i32
      %add3A_165 = arith.addi %mul3A_163, %add3A_164 : i32
      %swap3A_166 = arith.index_cast %add3A_165 : i32 to index
      %swap3A_167 = tpu.vector_load %arg9[%swap3A_166] {strides = array<i32>} : memref<25088xf32, #tpu.memory_space<vmem>>, vector<16xf32>,
      tpu.vector_store %arg9[%swap3A_166], %gather3A_161 {strides = array<i32>} : memref<25088xf32, #tpu.memory_space<vmem>>, vector<16xf32>,
      %mul3A_168 = arith.constant 128 : i32
      %mul3A_169 = arith.muli %while3A_109, %mul3A_168 : i32
      %add3A_170 = arith.constant 64 : i32
      %add3A_171 = arith.addi %mul3A_169, %add3A_170 : i32
      %get3A_172 = arith.constant 0 : i32
      %get3A_173 = arith.index_cast %get3A_172 : i32 to index
      %get3A_174 = arith.index_cast %add3A_171 : i32 to index
      %get3A_175 = tpu.vector_load %arg8[%get3A_173, %get3A_174] {strides = array<i32>} : memref<2x25088xi32, #tpu.memory_space<vmem>>, vector<16xi32>,
      %gather3A_176 = tpu.vector_load_idx %arg7[%get3A_175] : memref<50176xf32, #tpu.memory_space<vmem>>[vector<16xi32>], vector<16xf32>,
      %mul3A_177 = arith.constant 128 : i32
      %mul3A_178 = arith.muli %while3A_109, %mul3A_177 : i32
      %add3A_179 = arith.constant 64 : i32
      %add3A_180 = arith.addi %mul3A_178, %add3A_179 : i32
      %swap3A_181 = arith.index_cast %add3A_180 : i32 to index
      %swap3A_182 = tpu.vector_load %arg9[%swap3A_181] {strides = array<i32>} : memref<25088xf32, #tpu.memory_space<vmem>>, vector<16xf32>,
      tpu.vector_store %arg9[%swap3A_181], %gather3A_176 {strides = array<i32>} : memref<25088xf32, #tpu.memory_space<vmem>>, vector<16xf32>,
      %mul3A_183 = arith.constant 128 : i32
      %mul3A_184 = arith.muli %while3A_109, %mul3A_183 : i32
      %add3A_185 = arith.constant 80 : i32
      %add3A_186 = arith.addi %mul3A_184, %add3A_185 : i32
      %get3A_187 = arith.constant 0 : i32
      %get3A_188 = arith.index_cast %get3A_187 : i32 to index
      %get3A_189 = arith.index_cast %add3A_186 : i32 to index
      %get3A_190 = tpu.vector_load %arg8[%get3A_188, %get3A_189] {strides = array<i32>} : memref<2x25088xi32, #tpu.memory_space<vmem>>, vector<16xi32>,
      %gather3A_191 = tpu.vector_load_idx %arg7[%get3A_190] : memref<50176xf32, #tpu.memory_space<vmem>>[vector<16xi32>], vector<16xf32>,
      %mul3A_192 = arith.constant 128 : i32
      %mul3A_193 = arith.muli %while3A_109, %mul3A_192 : i32
      %add3A_194 = arith.constant 80 : i32
      %add3A_195 = arith.addi %mul3A_193, %add3A_194 : i32
      %swap3A_196 = arith.index_cast %add3A_195 : i32 to index
      %swap3A_197 = tpu.vector_load %arg9[%swap3A_196] {strides = array<i32>} : memref<25088xf32, #tpu.memory_space<vmem>>, vector<16xf32>,
      tpu.vector_store %arg9[%swap3A_196], %gather3A_191 {strides = array<i32>} : memref<25088xf32, #tpu.memory_space<vmem>>, vector<16xf32>,
      %mul3A_198 = arith.constant 128 : i32
      %mul3A_199 = arith.muli %while3A_109, %mul3A_198 : i32
      %add3A_200 = arith.constant 96 : i32
      %add3A_201 = arith.addi %mul3A_199, %add3A_200 : i32
      %get3A_202 = arith.constant 0 : i32
      %get3A_203 = arith.index_cast %get3A_202 : i32 to index
      %get3A_204 = arith.index_cast %add3A_201 : i32 to index
      %get3A_205 = tpu.vector_load %arg8[%get3A_203, %get3A_204] {strides = array<i32>} : memref<2x25088xi32, #tpu.memory_space<vmem>>, vector<16xi32>,
      %gather3A_206 = tpu.vector_load_idx %arg7[%get3A_205] : memref<50176xf32, #tpu.memory_space<vmem>>[vector<16xi32>], vector<16xf32>,
      %mul3A_207 = arith.constant 128 : i32
      %mul3A_208 = arith.muli %while3A_109, %mul3A_207 : i32
      %add3A_209 = arith.constant 96 : i32
      %add3A_210 = arith.addi %mul3A_208, %add3A_209 : i32
      %swap3A_211 = arith.index_cast %add3A_210 : i32 to index
      %swap3A_212 = tpu.vector_load %arg9[%swap3A_211] {strides = array<i32>} : memref<25088xf32, #tpu.memory_space<vmem>>, vector<16xf32>,
      tpu.vector_store %arg9[%swap3A_211], %gather3A_206 {strides = array<i32>} : memref<25088xf32, #tpu.memory_space<vmem>>, vector<16xf32>,
      %mul3A_213 = arith.constant 128 : i32
      %mul3A_214 = arith.muli %while3A_109, %mul3A_213 : i32
      %add3A_215 = arith.constant 112 : i32
      %add3A_216 = arith.addi %mul3A_214, %add3A_215 : i32
      %get3A_217 = arith.constant 0 : i32
      %get3A_218 = arith.index_cast %get3A_217 : i32 to index
      %get3A_219 = arith.index_cast %add3A_216 : i32 to index
      %get3A_220 = tpu.vector_load %arg8[%get3A_218, %get3A_219] {strides = array<i32>} : memref<2x25088xi32, #tpu.memory_space<vmem>>, vector<16xi32>,
      %gather3A_221 = tpu.vector_load_idx %arg7[%get3A_220] : memref<50176xf32, #tpu.memory_space<vmem>>[vector<16xi32>], vector<16xf32>,
      %mul3A_222 = arith.constant 128 : i32
      %mul3A_223 = arith.muli %while3A_109, %mul3A_222 : i32
      %add3A_224 = arith.constant 112 : i32
      %add3A_225 = arith.addi %mul3A_223, %add3A_224 : i32
      %swap3A_226 = arith.index_cast %add3A_225 : i32 to index
      %swap3A_227 = tpu.vector_load %arg9[%swap3A_226] {strides = array<i32>} : memref<25088xf32, #tpu.memory_space<vmem>>, vector<16xf32>,
      tpu.vector_store %arg9[%swap3A_226], %gather3A_221 {strides = array<i32>} : memref<25088xf32, #tpu.memory_space<vmem>>, vector<16xf32>,
      %mul3A_228 = arith.constant 128 : i32
      %mul3A_229 = arith.muli %while3A_109, %mul3A_228 : i32
      %mul3A_230 = arith.constant 128 : i32
      %mul3A_231 = arith.muli %while3A_109, %mul3A_230 : i32
      %dma_start3A_232 = arith.constant 1 : i32
      %dma_start3A_233 = tpu.memref_slice %arg9[%mul3A_229] : memref<25088xf32, #tpu.memory_space<vmem>> -> memref<128xf32, #tpu.memory_space<vmem>>
      %dma_start3A_234 = tpu.memref_slice %arg8[%dma_start3A_232, %mul3A_231] : memref<2x25088xi32, #tpu.memory_space<vmem>> -> memref<1x128xi32, #tpu.memory_space<vmem>>
      %dma_start3A_235 = tpu.memref_squeeze %dma_start3A_234 : memref<1x128xi32, #tpu.memory_space<vmem>> -> memref<128xi32, #tpu.memory_space<vmem>>
      %dma_start3A_236 = arith.constant 0 : i32
      %dma_start3A_237 = tpu.memref_slice %arg10[%dma_start3A_236] : memref<50176xf32, #tpu.memory_space<vmem_shared>> -> memref<50176xf32, #tpu.memory_space<vmem_shared>>
      tpu.enqueue_indirect_dma source(%dma_start3A_233 : memref<128xf32, #tpu.memory_space<vmem>>) target(%dma_start3A_237 : memref<50176xf32, #tpu.memory_space<vmem_shared>>) offsets(%dma_start3A_235 : memref<128xi32, #tpu.memory_space<vmem>>) semaphore(%arg13 : memref<!tpu.dma_semaphore, #tpu.memory_space<semaphore_mem>>) {add = true}
      %while3A_238 = arith.constant 0 : i32
      scf.yield %while3A_238 : i32
    }
    %while3A_89 = arith.constant 196 : i32
    %while3A_90 = arith.constant 0 : i32
    %while3A_91 = arith.subi %while3A_89, %select_n3A : i32
    %while3A_92 = arith.addi %select_n3A, %while3A_91 : i32
    %while3A_93 = arith.constant 1 : i32
    %while3A_94 = arith.divsi %while3A_91, %while3A_93 : i32
    %while3A_95 = arith.muli %while3A_94, %while3A_93 : i32
    %while3A_96 = arith.addi %select_n3A, %while3A_95 : i32
    %while3A_97 = arith.constant 1 : i32
    %while3A_98 = scf.for %while3A_109 = %select_n3A to %while3A_96 step %while3A_97 iter_args(%while3A_110 = %while3A_90) -> (i32)  : i32 {
      %mul3A_111 = arith.constant 128 : i32
      %mul3A_112 = arith.muli %while3A_109, %mul3A_111 : i32
      %mul3A_113 = arith.constant 128 : i32
      %mul3A_114 = arith.muli %while3A_109, %mul3A_113 : i32
      %dma_wait3A_115 = arith.constant 1 : i32
      %dma_wait3A_116 = tpu.memref_slice %arg9[%mul3A_112] : memref<25088xf32, #tpu.memory_space<vmem>> -> memref<128xf32, #tpu.memory_space<vmem>>
      %dma_wait3A_117 = tpu.memref_slice %arg8[%dma_wait3A_115, %mul3A_114] : memref<2x25088xi32, #tpu.memory_space<vmem>> -> memref<1x128xi32, #tpu.memory_space<vmem>>
      %dma_wait3A_118 = tpu.memref_squeeze %dma_wait3A_117 : memref<1x128xi32, #tpu.memory_space<vmem>> -> memref<128xi32, #tpu.memory_space<vmem>>
      %dma_wait3A_119 = arith.constant 0 : i32
      %dma_wait3A_120 = tpu.memref_slice %arg10[%dma_wait3A_119] : memref<50176xf32, #tpu.memory_space<vmem_shared>> -> memref<50176xf32, #tpu.memory_space<vmem_shared>>
      tpu.wait_indirect_dma semaphore(%arg13 : memref<!tpu.dma_semaphore, #tpu.memory_space<semaphore_mem>>) src(%dma_wait3A_116 : memref<128xf32, #tpu.memory_space<vmem>>) dst(%dma_wait3A_120 : memref<50176xf32, #tpu.memory_space<vmem_shared>>)
      %while3A_121 = arith.constant 0 : i32
      scf.yield %while3A_121 : i32
    }
    %while3A_99 = arith.constant 1 : i32
    %while3A_100 = scf.for %while3A_109 = %while3A_96 to %while3A_92 step %while3A_99 iter_args(%while3A_110 = %while3A_98) -> (i32)  : i32 {
      %mul3A_111 = arith.constant 128 : i32
      %mul3A_112 = arith.muli %while3A_109, %mul3A_111 : i32
      %mul3A_113 = arith.constant 128 : i32
      %mul3A_114 = arith.muli %while3A_109, %mul3A_113 : i32
      %dma_wait3A_115 = arith.constant 1 : i32
      %dma_wait3A_116 = tpu.memref_slice %arg9[%mul3A_112] : memref<25088xf32, #tpu.memory_space<vmem>> -> memref<128xf32, #tpu.memory_space<vmem>>
      %dma_wait3A_117 = tpu.memref_slice %arg8[%dma_wait3A_115, %mul3A_114] : memref<2x25088xi32, #tpu.memory_space<vmem>> -> memref<1x128xi32, #tpu.memory_space<vmem>>
      %dma_wait3A_118 = tpu.memref_squeeze %dma_wait3A_117 : memref<1x128xi32, #tpu.memory_space<vmem>> -> memref<128xi32, #tpu.memory_space<vmem>>
      %dma_wait3A_119 = arith.constant 0 : i32
      %dma_wait3A_120 = tpu.memref_slice %arg10[%dma_wait3A_119] : memref<50176xf32, #tpu.memory_space<vmem_shared>> -> memref<50176xf32, #tpu.memory_space<vmem_shared>>
      tpu.wait_indirect_dma semaphore(%arg13 : memref<!tpu.dma_semaphore, #tpu.memory_space<semaphore_mem>>) src(%dma_wait3A_116 : memref<128xf32, #tpu.memory_space<vmem>>) dst(%dma_wait3A_120 : memref<50176xf32, #tpu.memory_space<vmem_shared>>)
      %while3A_121 = arith.constant 0 : i32
      scf.yield %while3A_121 : i32
    }
    %barrier3A_101 = arith.constant 0 : index
    tpu.barrier barrier_id(%barrier3A_101)
    %mul3A_102 = arith.constant 3136 : i32
    %mul3A_103 = arith.muli %arg1, %mul3A_102 : i32
    "tpu.region"() ({
      %run_scoped3A = tpu.sem_alloc : memref<!tpu.dma_semaphore, #tpu.memory_space<semaphore_mem>>
      %dma_start3A_109 = arith.constant 0 : i32
      %dma_start3A_110 = tpu.memref_slice %arg9[%dma_start3A_109] : memref<25088xf32, #tpu.memory_space<vmem>> -> memref<3136xf32, #tpu.memory_space<vmem>>
      %dma_start3A_111 = tpu.memref_slice %arg10[%mul3A_103] : memref<50176xf32, #tpu.memory_space<vmem_shared>> -> memref<3136xf32, #tpu.memory_space<vmem_shared>>
      %dma_start3A_112 = arith.constant 0 : i32
      %dma_start3A_113 = tpu.memref_slice %arg9[%dma_start3A_112] : memref<25088xf32, #tpu.memory_space<vmem>> -> memref<3136xf32, #tpu.memory_space<vmem>>
      %dma_start3A_114 = tpu.memref_slice %arg10[%mul3A_103] : memref<50176xf32, #tpu.memory_space<vmem_shared>> -> memref<3136xf32, #tpu.memory_space<vmem_shared>>
      tpu.enqueue_dma source(%dma_start3A_114 : memref<3136xf32, #tpu.memory_space<vmem_shared>>) target(%dma_start3A_113 : memref<3136xf32, #tpu.memory_space<vmem>>) target_semaphore(%run_scoped3A : memref<!tpu.dma_semaphore, #tpu.memory_space<semaphore_mem>>)
      %dma_wait3A_115 = arith.constant 0 : i32
      %dma_wait3A_116 = tpu.memref_slice %arg9[%dma_wait3A_115] : memref<25088xf32, #tpu.memory_space<vmem>> -> memref<3136xf32, #tpu.memory_space<vmem>>
      %dma_wait3A_117 = tpu.memref_slice %arg10[%mul3A_103] : memref<50176xf32, #tpu.memory_space<vmem_shared>> -> memref<3136xf32, #tpu.memory_space<vmem_shared>>
      %dma_wait3A_118 = arith.constant 0 : i32
      %dma_wait3A_119 = tpu.memref_slice %arg9[%dma_wait3A_118] : memref<25088xf32, #tpu.memory_space<vmem>> -> memref<3136xf32, #tpu.memory_space<vmem>>
      %dma_wait3A_120 = tpu.memref_slice %arg10[%mul3A_103] : memref<50176xf32, #tpu.memory_space<vmem_shared>> -> memref<3136xf32, #tpu.memory_space<vmem_shared>>
      tpu.wait_dma2 semaphore(%run_scoped3A : memref<!tpu.dma_semaphore, #tpu.memory_space<semaphore_mem>>) src(%dma_wait3A_120 : memref<3136xf32, #tpu.memory_space<vmem_shared>>) dst(%dma_wait3A_119 : memref<3136xf32, #tpu.memory_space<vmem>>)
      tpu.yield
    }) : () -> ()
    %mul3A_104 = arith.constant 50176 : i32
    %mul3A_105 = arith.muli %arg0, %mul3A_104 : i32
    %mul3A_106 = arith.constant 3136 : i32
    %mul3A_107 = arith.muli %arg1, %mul3A_106 : i32
    %add3A_108 = arith.addi %mul3A_105, %mul3A_107 : i32
    "tpu.region"() ({
      %run_scoped3A = tpu.sem_alloc : memref<!tpu.dma_semaphore, #tpu.memory_space<semaphore_mem>>
      %dma_start3A_109 = arith.constant 0 : i32
      %dma_start3A_110 = tpu.memref_slice %arg9[%dma_start3A_109] : memref<25088xf32, #tpu.memory_space<vmem>> -> memref<3136xf32, #tpu.memory_space<vmem>>
      %dma_start3A_111 = tpu.memref_slice %arg5[%add3A_108] : memref<100352xf32, #tpu.memory_space<hbm>> -> memref<3136xf32, #tpu.memory_space<hbm>>
      %dma_start3A_112 = tpu.memref_slice %arg5[%add3A_108] : memref<100352xf32, #tpu.memory_space<hbm>> -> memref<3136xf32, #tpu.memory_space<hbm>>
      %dma_start3A_113 = arith.constant 0 : i32
      %dma_start3A_114 = tpu.memref_slice %arg9[%dma_start3A_113] : memref<25088xf32, #tpu.memory_space<vmem>> -> memref<3136xf32, #tpu.memory_space<vmem>>
      tpu.enqueue_dma source(%dma_start3A_114 : memref<3136xf32, #tpu.memory_space<vmem>>) target(%dma_start3A_112 : memref<3136xf32, #tpu.memory_space<hbm>>) target_semaphore(%run_scoped3A : memref<!tpu.dma_semaphore, #tpu.memory_space<semaphore_mem>>)
      %dma_wait3A_115 = arith.constant 0 : i32
      %dma_wait3A_116 = tpu.memref_slice %arg9[%dma_wait3A_115] : memref<25088xf32, #tpu.memory_space<vmem>> -> memref<3136xf32, #tpu.memory_space<vmem>>
      %dma_wait3A_117 = tpu.memref_slice %arg5[%add3A_108] : memref<100352xf32, #tpu.memory_space<hbm>> -> memref<3136xf32, #tpu.memory_space<hbm>>
      %dma_wait3A_118 = tpu.memref_slice %arg5[%add3A_108] : memref<100352xf32, #tpu.memory_space<hbm>> -> memref<3136xf32, #tpu.memory_space<hbm>>
      %dma_wait3A_119 = arith.constant 0 : i32
      %dma_wait3A_120 = tpu.memref_slice %arg9[%dma_wait3A_119] : memref<25088xf32, #tpu.memory_space<vmem>> -> memref<3136xf32, #tpu.memory_space<vmem>>
      tpu.wait_dma2 semaphore(%run_scoped3A : memref<!tpu.dma_semaphore, #tpu.memory_space<semaphore_mem>>) src(%dma_wait3A_120 : memref<3136xf32, #tpu.memory_space<vmem>>) dst(%dma_wait3A_118 : memref<3136xf32, #tpu.memory_space<hbm>>)
      tpu.yield
    }) : () -> ()
    return
  }
}

#map = affine_map<(d0, d1) -> (0)>
#map1 = affine_map<(d0, d1) -> (0, 0)>
module attributes {stable_mosaic.version = 14 : i64} {
  func.func @_out_kernel(%arg0: i32, %arg1: i32, %arg2: memref<50176xf32, #tpu.memory_space<hbm>>, %arg3: memref<2x800000xi32, #tpu.memory_space<hbm>>, %arg4: memref<100352xf32, #tpu.memory_space<hbm>>, %arg5: memref<50176xf32, #tpu.memory_space<vmem>>, %arg6: memref<2x25088xi32, #tpu.memory_space<vmem>>, %arg7: memref<25088xf32, #tpu.memory_space<vmem>>, %arg8: memref<50176xf32, #tpu.memory_space<vmem_shared>>, %arg9: memref<!tpu.dma_semaphore, #tpu.memory_space<semaphore_mem>>, %arg10: memref<!tpu.dma_semaphore, #tpu.memory_space<semaphore_mem>>, %arg11: memref<!tpu.dma_semaphore, #tpu.memory_space<semaphore_mem>>) attributes {dimension_semantics = [#tpu.dimension_semantics<core_parallel>, #tpu.dimension_semantics<subcore_parallel>], iteration_bounds = array<i64: 2, 16>, scalar_prefetch = 0 : i64, scratch_operands = 7 : i64, tpu.core_type = #tpu.core_type<sc_vector_subcore>, window_params = [{transform_indices = #map}, {transform_indices = #map1}, {transform_indices = #map}]} {
    %mul3A = arith.constant 16 : i32
    %mul3A_0 = arith.muli %arg0, %mul3A : i32
    %add3A = arith.addi %mul3A_0, %arg1 : i32
    %mul3A_1 = arith.constant 25088 : i32
    %mul3A_2 = arith.muli %add3A, %mul3A_1 : i32
    %min3A = arith.constant 774912 : i32
    %min3A_3 = arith.minsi %mul3A_2, %min3A : i32
    %eq3A = arith.constant 31 : i32
    %eq3A_4 = arith.cmpi eq, %add3A, %eq3A : i32
    %jit3A = arith.constant 22 : i32
    %jit3A_5 = arith.constant 0 : i32
    %select_n3A = arith.select %eq3A_4, %jit3A, %jit3A_5 : i32
    %dma_start3A = arith.constant 0 : i32
    %dma_start3A_6 = tpu.memref_slice %arg3[%dma_start3A, %min3A_3] : memref<2x800000xi32, #tpu.memory_space<hbm>> -> memref<2x25088xi32, #tpu.memory_space<hbm>>
    %dma_start3A_7 = arith.constant 0 : i32
    %dma_start3A_8 = tpu.memref_slice %arg3[%dma_start3A_7, %min3A_3] : memref<2x800000xi32, #tpu.memory_space<hbm>> -> memref<2x25088xi32, #tpu.memory_space<hbm>>
    tpu.enqueue_dma source(%dma_start3A_8 : memref<2x25088xi32, #tpu.memory_space<hbm>>) target(%arg6 : memref<2x25088xi32, #tpu.memory_space<vmem>>) target_semaphore(%arg9 : memref<!tpu.dma_semaphore, #tpu.memory_space<semaphore_mem>>)
    tpu.enqueue_dma source(%arg2 : memref<50176xf32, #tpu.memory_space<hbm>>) target(%arg5 : memref<50176xf32, #tpu.memory_space<vmem>>) target_semaphore(%arg10 : memref<!tpu.dma_semaphore, #tpu.memory_space<semaphore_mem>>)
    %scan3A = arith.constant 0 : i32
    %scan3A_9 = arith.constant 0 : i32
    %scan3A_10 = arith.constant 196 : i32
    %scan3A_11 = arith.addi %scan3A_9, %scan3A_10 : i32
    %scan3A_12 = arith.constant 1 : i32
    %scan3A_13 = scf.for %scan3A_51 = %scan3A_9 to %scan3A_11 step %scan3A_12 iter_args(%scan3A_52 = %scan3A) -> (i32)  : i32 {
      %broadcast_in_dim3A = arith.constant 0.000000e+00 : f32
      %broadcast_in_dim3A_53 = vector.broadcast %broadcast_in_dim3A : f32 to vector<16xf32>
      %mul3A_54 = arith.constant 16 : i32
      %mul3A_55 = arith.muli %scan3A_51, %mul3A_54 : i32
      %swap3A = arith.index_cast %mul3A_55 : i32 to index
      %swap3A_56 = tpu.vector_load %arg7[%swap3A] {strides = array<i32>} : memref<25088xf32, #tpu.memory_space<vmem>>, vector<16xf32>,
      tpu.vector_store %arg7[%swap3A], %broadcast_in_dim3A_53 {strides = array<i32>} : memref<25088xf32, #tpu.memory_space<vmem>>, vector<16xf32>,
      %scan3A_57 = arith.constant 0 : i32
      scf.yield %scan3A_57 : i32
    }
    %scan3A_14 = arith.constant 196 : i32
    %mul3A_15 = arith.constant 3136 : i32
    %mul3A_16 = arith.muli %arg1, %mul3A_15 : i32
    "tpu.region"() ({
      %run_scoped3A = tpu.sem_alloc : memref<!tpu.dma_semaphore, #tpu.memory_space<semaphore_mem>>
      %dma_start3A_51 = arith.constant 0 : i32
      %dma_start3A_52 = tpu.memref_slice %arg7[%dma_start3A_51] : memref<25088xf32, #tpu.memory_space<vmem>> -> memref<3136xf32, #tpu.memory_space<vmem>>
      %dma_start3A_53 = tpu.memref_slice %arg8[%mul3A_16] : memref<50176xf32, #tpu.memory_space<vmem_shared>> -> memref<3136xf32, #tpu.memory_space<vmem_shared>>
      %dma_start3A_54 = tpu.memref_slice %arg8[%mul3A_16] : memref<50176xf32, #tpu.memory_space<vmem_shared>> -> memref<3136xf32, #tpu.memory_space<vmem_shared>>
      %dma_start3A_55 = arith.constant 0 : i32
      %dma_start3A_56 = tpu.memref_slice %arg7[%dma_start3A_55] : memref<25088xf32, #tpu.memory_space<vmem>> -> memref<3136xf32, #tpu.memory_space<vmem>>
      tpu.enqueue_dma source(%dma_start3A_56 : memref<3136xf32, #tpu.memory_space<vmem>>) target(%dma_start3A_54 : memref<3136xf32, #tpu.memory_space<vmem_shared>>) target_semaphore(%run_scoped3A : memref<!tpu.dma_semaphore, #tpu.memory_space<semaphore_mem>>)
      %dma_wait3A_57 = arith.constant 0 : i32
      %dma_wait3A_58 = tpu.memref_slice %arg7[%dma_wait3A_57] : memref<25088xf32, #tpu.memory_space<vmem>> -> memref<3136xf32, #tpu.memory_space<vmem>>
      %dma_wait3A_59 = tpu.memref_slice %arg8[%mul3A_16] : memref<50176xf32, #tpu.memory_space<vmem_shared>> -> memref<3136xf32, #tpu.memory_space<vmem_shared>>
      %dma_wait3A_60 = tpu.memref_slice %arg8[%mul3A_16] : memref<50176xf32, #tpu.memory_space<vmem_shared>> -> memref<3136xf32, #tpu.memory_space<vmem_shared>>
      %dma_wait3A_61 = arith.constant 0 : i32
      %dma_wait3A_62 = tpu.memref_slice %arg7[%dma_wait3A_61] : memref<25088xf32, #tpu.memory_space<vmem>> -> memref<3136xf32, #tpu.memory_space<vmem>>
      tpu.wait_dma2 semaphore(%run_scoped3A : memref<!tpu.dma_semaphore, #tpu.memory_space<semaphore_mem>>) src(%dma_wait3A_62 : memref<3136xf32, #tpu.memory_space<vmem>>) dst(%dma_wait3A_60 : memref<3136xf32, #tpu.memory_space<vmem_shared>>)
      tpu.yield
    }) : () -> ()
    %dma_wait3A = arith.constant 0 : i32
    %dma_wait3A_17 = tpu.memref_slice %arg3[%dma_wait3A, %min3A_3] : memref<2x800000xi32, #tpu.memory_space<hbm>> -> memref<2x25088xi32, #tpu.memory_space<hbm>>
    %dma_wait3A_18 = arith.constant 0 : i32
    %dma_wait3A_19 = tpu.memref_slice %arg3[%dma_wait3A_18, %min3A_3] : memref<2x800000xi32, #tpu.memory_space<hbm>> -> memref<2x25088xi32, #tpu.memory_space<hbm>>
    tpu.wait_dma2 semaphore(%arg9 : memref<!tpu.dma_semaphore, #tpu.memory_space<semaphore_mem>>) src(%dma_wait3A_19 : memref<2x25088xi32, #tpu.memory_space<hbm>>) dst(%arg6 : memref<2x25088xi32, #tpu.memory_space<vmem>>)
    tpu.wait_dma2 semaphore(%arg10 : memref<!tpu.dma_semaphore, #tpu.memory_space<semaphore_mem>>) src(%arg2 : memref<50176xf32, #tpu.memory_space<hbm>>) dst(%arg5 : memref<50176xf32, #tpu.memory_space<vmem>>)
    %barrier3A = arith.constant 0 : index
    tpu.barrier barrier_id(%barrier3A)
    %while3A = arith.constant 196 : i32
    %while3A_20 = arith.constant 0 : i32
    %while3A_21 = arith.subi %while3A, %select_n3A : i32
    %while3A_22 = arith.addi %select_n3A, %while3A_21 : i32
    %while3A_23 = arith.constant 1 : i32
    %while3A_24 = arith.divsi %while3A_21, %while3A_23 : i32
    %while3A_25 = arith.muli %while3A_24, %while3A_23 : i32
    %while3A_26 = arith.addi %select_n3A, %while3A_25 : i32
    %while3A_27 = arith.constant 1 : i32
    %while3A_28 = scf.for %while3A_51 = %select_n3A to %while3A_26 step %while3A_27 iter_args(%while3A_52 = %while3A_20) -> (i32)  : i32 {
      %mul3A_53 = arith.constant 128 : i32
      %mul3A_54 = arith.muli %while3A_51, %mul3A_53 : i32
      %add3A_55 = arith.constant 0 : i32
      %add3A_56 = arith.addi %mul3A_54, %add3A_55 : i32
      %get3A = arith.constant 0 : i32
      %get3A_57 = arith.index_cast %get3A : i32 to index
      %get3A_58 = arith.index_cast %add3A_56 : i32 to index
      %get3A_59 = tpu.vector_load %arg6[%get3A_57, %get3A_58] {strides = array<i32>} : memref<2x25088xi32, #tpu.memory_space<vmem>>, vector<16xi32>,
      %gather3A = tpu.vector_load_idx %arg5[%get3A_59] : memref<50176xf32, #tpu.memory_space<vmem>>[vector<16xi32>], vector<16xf32>,
      %mul3A_60 = arith.constant 128 : i32
      %mul3A_61 = arith.muli %while3A_51, %mul3A_60 : i32
      %add3A_62 = arith.constant 0 : i32
      %add3A_63 = arith.addi %mul3A_61, %add3A_62 : i32
      %swap3A = arith.index_cast %add3A_63 : i32 to index
      %swap3A_64 = tpu.vector_load %arg7[%swap3A] {strides = array<i32>} : memref<25088xf32, #tpu.memory_space<vmem>>, vector<16xf32>,
      tpu.vector_store %arg7[%swap3A], %gather3A {strides = array<i32>} : memref<25088xf32, #tpu.memory_space<vmem>>, vector<16xf32>,
      %mul3A_65 = arith.constant 128 : i32
      %mul3A_66 = arith.muli %while3A_51, %mul3A_65 : i32
      %add3A_67 = arith.constant 16 : i32
      %add3A_68 = arith.addi %mul3A_66, %add3A_67 : i32
      %get3A_69 = arith.constant 0 : i32
      %get3A_70 = arith.index_cast %get3A_69 : i32 to index
      %get3A_71 = arith.index_cast %add3A_68 : i32 to index
      %get3A_72 = tpu.vector_load %arg6[%get3A_70, %get3A_71] {strides = array<i32>} : memref<2x25088xi32, #tpu.memory_space<vmem>>, vector<16xi32>,
      %gather3A_73 = tpu.vector_load_idx %arg5[%get3A_72] : memref<50176xf32, #tpu.memory_space<vmem>>[vector<16xi32>], vector<16xf32>,
      %mul3A_74 = arith.constant 128 : i32
      %mul3A_75 = arith.muli %while3A_51, %mul3A_74 : i32
      %add3A_76 = arith.constant 16 : i32
      %add3A_77 = arith.addi %mul3A_75, %add3A_76 : i32
      %swap3A_78 = arith.index_cast %add3A_77 : i32 to index
      %swap3A_79 = tpu.vector_load %arg7[%swap3A_78] {strides = array<i32>} : memref<25088xf32, #tpu.memory_space<vmem>>, vector<16xf32>,
      tpu.vector_store %arg7[%swap3A_78], %gather3A_73 {strides = array<i32>} : memref<25088xf32, #tpu.memory_space<vmem>>, vector<16xf32>,
      %mul3A_80 = arith.constant 128 : i32
      %mul3A_81 = arith.muli %while3A_51, %mul3A_80 : i32
      %add3A_82 = arith.constant 32 : i32
      %add3A_83 = arith.addi %mul3A_81, %add3A_82 : i32
      %get3A_84 = arith.constant 0 : i32
      %get3A_85 = arith.index_cast %get3A_84 : i32 to index
      %get3A_86 = arith.index_cast %add3A_83 : i32 to index
      %get3A_87 = tpu.vector_load %arg6[%get3A_85, %get3A_86] {strides = array<i32>} : memref<2x25088xi32, #tpu.memory_space<vmem>>, vector<16xi32>,
      %gather3A_88 = tpu.vector_load_idx %arg5[%get3A_87] : memref<50176xf32, #tpu.memory_space<vmem>>[vector<16xi32>], vector<16xf32>,
      %mul3A_89 = arith.constant 128 : i32
      %mul3A_90 = arith.muli %while3A_51, %mul3A_89 : i32
      %add3A_91 = arith.constant 32 : i32
      %add3A_92 = arith.addi %mul3A_90, %add3A_91 : i32
      %swap3A_93 = arith.index_cast %add3A_92 : i32 to index
      %swap3A_94 = tpu.vector_load %arg7[%swap3A_93] {strides = array<i32>} : memref<25088xf32, #tpu.memory_space<vmem>>, vector<16xf32>,
      tpu.vector_store %arg7[%swap3A_93], %gather3A_88 {strides = array<i32>} : memref<25088xf32, #tpu.memory_space<vmem>>, vector<16xf32>,
      %mul3A_95 = arith.constant 128 : i32
      %mul3A_96 = arith.muli %while3A_51, %mul3A_95 : i32
      %add3A_97 = arith.constant 48 : i32
      %add3A_98 = arith.addi %mul3A_96, %add3A_97 : i32
      %get3A_99 = arith.constant 0 : i32
      %get3A_100 = arith.index_cast %get3A_99 : i32 to index
      %get3A_101 = arith.index_cast %add3A_98 : i32 to index
      %get3A_102 = tpu.vector_load %arg6[%get3A_100, %get3A_101] {strides = array<i32>} : memref<2x25088xi32, #tpu.memory_space<vmem>>, vector<16xi32>,
      %gather3A_103 = tpu.vector_load_idx %arg5[%get3A_102] : memref<50176xf32, #tpu.memory_space<vmem>>[vector<16xi32>], vector<16xf32>,
      %mul3A_104 = arith.constant 128 : i32
      %mul3A_105 = arith.muli %while3A_51, %mul3A_104 : i32
      %add3A_106 = arith.constant 48 : i32
      %add3A_107 = arith.addi %mul3A_105, %add3A_106 : i32
      %swap3A_108 = arith.index_cast %add3A_107 : i32 to index
      %swap3A_109 = tpu.vector_load %arg7[%swap3A_108] {strides = array<i32>} : memref<25088xf32, #tpu.memory_space<vmem>>, vector<16xf32>,
      tpu.vector_store %arg7[%swap3A_108], %gather3A_103 {strides = array<i32>} : memref<25088xf32, #tpu.memory_space<vmem>>, vector<16xf32>,
      %mul3A_110 = arith.constant 128 : i32
      %mul3A_111 = arith.muli %while3A_51, %mul3A_110 : i32
      %add3A_112 = arith.constant 64 : i32
      %add3A_113 = arith.addi %mul3A_111, %add3A_112 : i32
      %get3A_114 = arith.constant 0 : i32
      %get3A_115 = arith.index_cast %get3A_114 : i32 to index
      %get3A_116 = arith.index_cast %add3A_113 : i32 to index
      %get3A_117 = tpu.vector_load %arg6[%get3A_115, %get3A_116] {strides = array<i32>} : memref<2x25088xi32, #tpu.memory_space<vmem>>, vector<16xi32>,
      %gather3A_118 = tpu.vector_load_idx %arg5[%get3A_117] : memref<50176xf32, #tpu.memory_space<vmem>>[vector<16xi32>], vector<16xf32>,
      %mul3A_119 = arith.constant 128 : i32
      %mul3A_120 = arith.muli %while3A_51, %mul3A_119 : i32
      %add3A_121 = arith.constant 64 : i32
      %add3A_122 = arith.addi %mul3A_120, %add3A_121 : i32
      %swap3A_123 = arith.index_cast %add3A_122 : i32 to index
      %swap3A_124 = tpu.vector_load %arg7[%swap3A_123] {strides = array<i32>} : memref<25088xf32, #tpu.memory_space<vmem>>, vector<16xf32>,
      tpu.vector_store %arg7[%swap3A_123], %gather3A_118 {strides = array<i32>} : memref<25088xf32, #tpu.memory_space<vmem>>, vector<16xf32>,
      %mul3A_125 = arith.constant 128 : i32
      %mul3A_126 = arith.muli %while3A_51, %mul3A_125 : i32
      %add3A_127 = arith.constant 80 : i32
      %add3A_128 = arith.addi %mul3A_126, %add3A_127 : i32
      %get3A_129 = arith.constant 0 : i32
      %get3A_130 = arith.index_cast %get3A_129 : i32 to index
      %get3A_131 = arith.index_cast %add3A_128 : i32 to index
      %get3A_132 = tpu.vector_load %arg6[%get3A_130, %get3A_131] {strides = array<i32>} : memref<2x25088xi32, #tpu.memory_space<vmem>>, vector<16xi32>,
      %gather3A_133 = tpu.vector_load_idx %arg5[%get3A_132] : memref<50176xf32, #tpu.memory_space<vmem>>[vector<16xi32>], vector<16xf32>,
      %mul3A_134 = arith.constant 128 : i32
      %mul3A_135 = arith.muli %while3A_51, %mul3A_134 : i32
      %add3A_136 = arith.constant 80 : i32
      %add3A_137 = arith.addi %mul3A_135, %add3A_136 : i32
      %swap3A_138 = arith.index_cast %add3A_137 : i32 to index
      %swap3A_139 = tpu.vector_load %arg7[%swap3A_138] {strides = array<i32>} : memref<25088xf32, #tpu.memory_space<vmem>>, vector<16xf32>,
      tpu.vector_store %arg7[%swap3A_138], %gather3A_133 {strides = array<i32>} : memref<25088xf32, #tpu.memory_space<vmem>>, vector<16xf32>,
      %mul3A_140 = arith.constant 128 : i32
      %mul3A_141 = arith.muli %while3A_51, %mul3A_140 : i32
      %add3A_142 = arith.constant 96 : i32
      %add3A_143 = arith.addi %mul3A_141, %add3A_142 : i32
      %get3A_144 = arith.constant 0 : i32
      %get3A_145 = arith.index_cast %get3A_144 : i32 to index
      %get3A_146 = arith.index_cast %add3A_143 : i32 to index
      %get3A_147 = tpu.vector_load %arg6[%get3A_145, %get3A_146] {strides = array<i32>} : memref<2x25088xi32, #tpu.memory_space<vmem>>, vector<16xi32>,
      %gather3A_148 = tpu.vector_load_idx %arg5[%get3A_147] : memref<50176xf32, #tpu.memory_space<vmem>>[vector<16xi32>], vector<16xf32>,
      %mul3A_149 = arith.constant 128 : i32
      %mul3A_150 = arith.muli %while3A_51, %mul3A_149 : i32
      %add3A_151 = arith.constant 96 : i32
      %add3A_152 = arith.addi %mul3A_150, %add3A_151 : i32
      %swap3A_153 = arith.index_cast %add3A_152 : i32 to index
      %swap3A_154 = tpu.vector_load %arg7[%swap3A_153] {strides = array<i32>} : memref<25088xf32, #tpu.memory_space<vmem>>, vector<16xf32>,
      tpu.vector_store %arg7[%swap3A_153], %gather3A_148 {strides = array<i32>} : memref<25088xf32, #tpu.memory_space<vmem>>, vector<16xf32>,
      %mul3A_155 = arith.constant 128 : i32
      %mul3A_156 = arith.muli %while3A_51, %mul3A_155 : i32
      %add3A_157 = arith.constant 112 : i32
      %add3A_158 = arith.addi %mul3A_156, %add3A_157 : i32
      %get3A_159 = arith.constant 0 : i32
      %get3A_160 = arith.index_cast %get3A_159 : i32 to index
      %get3A_161 = arith.index_cast %add3A_158 : i32 to index
      %get3A_162 = tpu.vector_load %arg6[%get3A_160, %get3A_161] {strides = array<i32>} : memref<2x25088xi32, #tpu.memory_space<vmem>>, vector<16xi32>,
      %gather3A_163 = tpu.vector_load_idx %arg5[%get3A_162] : memref<50176xf32, #tpu.memory_space<vmem>>[vector<16xi32>], vector<16xf32>,
      %mul3A_164 = arith.constant 128 : i32
      %mul3A_165 = arith.muli %while3A_51, %mul3A_164 : i32
      %add3A_166 = arith.constant 112 : i32
      %add3A_167 = arith.addi %mul3A_165, %add3A_166 : i32
      %swap3A_168 = arith.index_cast %add3A_167 : i32 to index
      %swap3A_169 = tpu.vector_load %arg7[%swap3A_168] {strides = array<i32>} : memref<25088xf32, #tpu.memory_space<vmem>>, vector<16xf32>,
      tpu.vector_store %arg7[%swap3A_168], %gather3A_163 {strides = array<i32>} : memref<25088xf32, #tpu.memory_space<vmem>>, vector<16xf32>,
      %mul3A_170 = arith.constant 128 : i32
      %mul3A_171 = arith.muli %while3A_51, %mul3A_170 : i32
      %mul3A_172 = arith.constant 128 : i32
      %mul3A_173 = arith.muli %while3A_51, %mul3A_172 : i32
      %dma_start3A_174 = arith.constant 1 : i32
      %dma_start3A_175 = tpu.memref_slice %arg7[%mul3A_171] : memref<25088xf32, #tpu.memory_space<vmem>> -> memref<128xf32, #tpu.memory_space<vmem>>
      %dma_start3A_176 = tpu.memref_slice %arg6[%dma_start3A_174, %mul3A_173] : memref<2x25088xi32, #tpu.memory_space<vmem>> -> memref<1x128xi32, #tpu.memory_space<vmem>>
      %dma_start3A_177 = tpu.memref_squeeze %dma_start3A_176 : memref<1x128xi32, #tpu.memory_space<vmem>> -> memref<128xi32, #tpu.memory_space<vmem>>
      %dma_start3A_178 = arith.constant 0 : i32
      %dma_start3A_179 = tpu.memref_slice %arg8[%dma_start3A_178] : memref<50176xf32, #tpu.memory_space<vmem_shared>> -> memref<50176xf32, #tpu.memory_space<vmem_shared>>
      tpu.enqueue_indirect_dma source(%dma_start3A_175 : memref<128xf32, #tpu.memory_space<vmem>>) target(%dma_start3A_179 : memref<50176xf32, #tpu.memory_space<vmem_shared>>) offsets(%dma_start3A_177 : memref<128xi32, #tpu.memory_space<vmem>>) semaphore(%arg11 : memref<!tpu.dma_semaphore, #tpu.memory_space<semaphore_mem>>) {add = true}
      %while3A_180 = arith.constant 0 : i32
      scf.yield %while3A_180 : i32
    }
    %while3A_29 = arith.constant 1 : i32
    %while3A_30 = scf.for %while3A_51 = %while3A_26 to %while3A_22 step %while3A_29 iter_args(%while3A_52 = %while3A_28) -> (i32)  : i32 {
      %mul3A_53 = arith.constant 128 : i32
      %mul3A_54 = arith.muli %while3A_51, %mul3A_53 : i32
      %add3A_55 = arith.constant 0 : i32
      %add3A_56 = arith.addi %mul3A_54, %add3A_55 : i32
      %get3A = arith.constant 0 : i32
      %get3A_57 = arith.index_cast %get3A : i32 to index
      %get3A_58 = arith.index_cast %add3A_56 : i32 to index
      %get3A_59 = tpu.vector_load %arg6[%get3A_57, %get3A_58] {strides = array<i32>} : memref<2x25088xi32, #tpu.memory_space<vmem>>, vector<16xi32>,
      %gather3A = tpu.vector_load_idx %arg5[%get3A_59] : memref<50176xf32, #tpu.memory_space<vmem>>[vector<16xi32>], vector<16xf32>,
      %mul3A_60 = arith.constant 128 : i32
      %mul3A_61 = arith.muli %while3A_51, %mul3A_60 : i32
      %add3A_62 = arith.constant 0 : i32
      %add3A_63 = arith.addi %mul3A_61, %add3A_62 : i32
      %swap3A = arith.index_cast %add3A_63 : i32 to index
      %swap3A_64 = tpu.vector_load %arg7[%swap3A] {strides = array<i32>} : memref<25088xf32, #tpu.memory_space<vmem>>, vector<16xf32>,
      tpu.vector_store %arg7[%swap3A], %gather3A {strides = array<i32>} : memref<25088xf32, #tpu.memory_space<vmem>>, vector<16xf32>,
      %mul3A_65 = arith.constant 128 : i32
      %mul3A_66 = arith.muli %while3A_51, %mul3A_65 : i32
      %add3A_67 = arith.constant 16 : i32
      %add3A_68 = arith.addi %mul3A_66, %add3A_67 : i32
      %get3A_69 = arith.constant 0 : i32
      %get3A_70 = arith.index_cast %get3A_69 : i32 to index
      %get3A_71 = arith.index_cast %add3A_68 : i32 to index
      %get3A_72 = tpu.vector_load %arg6[%get3A_70, %get3A_71] {strides = array<i32>} : memref<2x25088xi32, #tpu.memory_space<vmem>>, vector<16xi32>,
      %gather3A_73 = tpu.vector_load_idx %arg5[%get3A_72] : memref<50176xf32, #tpu.memory_space<vmem>>[vector<16xi32>], vector<16xf32>,
      %mul3A_74 = arith.constant 128 : i32
      %mul3A_75 = arith.muli %while3A_51, %mul3A_74 : i32
      %add3A_76 = arith.constant 16 : i32
      %add3A_77 = arith.addi %mul3A_75, %add3A_76 : i32
      %swap3A_78 = arith.index_cast %add3A_77 : i32 to index
      %swap3A_79 = tpu.vector_load %arg7[%swap3A_78] {strides = array<i32>} : memref<25088xf32, #tpu.memory_space<vmem>>, vector<16xf32>,
      tpu.vector_store %arg7[%swap3A_78], %gather3A_73 {strides = array<i32>} : memref<25088xf32, #tpu.memory_space<vmem>>, vector<16xf32>,
      %mul3A_80 = arith.constant 128 : i32
      %mul3A_81 = arith.muli %while3A_51, %mul3A_80 : i32
      %add3A_82 = arith.constant 32 : i32
      %add3A_83 = arith.addi %mul3A_81, %add3A_82 : i32
      %get3A_84 = arith.constant 0 : i32
      %get3A_85 = arith.index_cast %get3A_84 : i32 to index
      %get3A_86 = arith.index_cast %add3A_83 : i32 to index
      %get3A_87 = tpu.vector_load %arg6[%get3A_85, %get3A_86] {strides = array<i32>} : memref<2x25088xi32, #tpu.memory_space<vmem>>, vector<16xi32>,
      %gather3A_88 = tpu.vector_load_idx %arg5[%get3A_87] : memref<50176xf32, #tpu.memory_space<vmem>>[vector<16xi32>], vector<16xf32>,
      %mul3A_89 = arith.constant 128 : i32
      %mul3A_90 = arith.muli %while3A_51, %mul3A_89 : i32
      %add3A_91 = arith.constant 32 : i32
      %add3A_92 = arith.addi %mul3A_90, %add3A_91 : i32
      %swap3A_93 = arith.index_cast %add3A_92 : i32 to index
      %swap3A_94 = tpu.vector_load %arg7[%swap3A_93] {strides = array<i32>} : memref<25088xf32, #tpu.memory_space<vmem>>, vector<16xf32>,
      tpu.vector_store %arg7[%swap3A_93], %gather3A_88 {strides = array<i32>} : memref<25088xf32, #tpu.memory_space<vmem>>, vector<16xf32>,
      %mul3A_95 = arith.constant 128 : i32
      %mul3A_96 = arith.muli %while3A_51, %mul3A_95 : i32
      %add3A_97 = arith.constant 48 : i32
      %add3A_98 = arith.addi %mul3A_96, %add3A_97 : i32
      %get3A_99 = arith.constant 0 : i32
      %get3A_100 = arith.index_cast %get3A_99 : i32 to index
      %get3A_101 = arith.index_cast %add3A_98 : i32 to index
      %get3A_102 = tpu.vector_load %arg6[%get3A_100, %get3A_101] {strides = array<i32>} : memref<2x25088xi32, #tpu.memory_space<vmem>>, vector<16xi32>,
      %gather3A_103 = tpu.vector_load_idx %arg5[%get3A_102] : memref<50176xf32, #tpu.memory_space<vmem>>[vector<16xi32>], vector<16xf32>,
      %mul3A_104 = arith.constant 128 : i32
      %mul3A_105 = arith.muli %while3A_51, %mul3A_104 : i32
      %add3A_106 = arith.constant 48 : i32
      %add3A_107 = arith.addi %mul3A_105, %add3A_106 : i32
      %swap3A_108 = arith.index_cast %add3A_107 : i32 to index
      %swap3A_109 = tpu.vector_load %arg7[%swap3A_108] {strides = array<i32>} : memref<25088xf32, #tpu.memory_space<vmem>>, vector<16xf32>,
      tpu.vector_store %arg7[%swap3A_108], %gather3A_103 {strides = array<i32>} : memref<25088xf32, #tpu.memory_space<vmem>>, vector<16xf32>,
      %mul3A_110 = arith.constant 128 : i32
      %mul3A_111 = arith.muli %while3A_51, %mul3A_110 : i32
      %add3A_112 = arith.constant 64 : i32
      %add3A_113 = arith.addi %mul3A_111, %add3A_112 : i32
      %get3A_114 = arith.constant 0 : i32
      %get3A_115 = arith.index_cast %get3A_114 : i32 to index
      %get3A_116 = arith.index_cast %add3A_113 : i32 to index
      %get3A_117 = tpu.vector_load %arg6[%get3A_115, %get3A_116] {strides = array<i32>} : memref<2x25088xi32, #tpu.memory_space<vmem>>, vector<16xi32>,
      %gather3A_118 = tpu.vector_load_idx %arg5[%get3A_117] : memref<50176xf32, #tpu.memory_space<vmem>>[vector<16xi32>], vector<16xf32>,
      %mul3A_119 = arith.constant 128 : i32
      %mul3A_120 = arith.muli %while3A_51, %mul3A_119 : i32
      %add3A_121 = arith.constant 64 : i32
      %add3A_122 = arith.addi %mul3A_120, %add3A_121 : i32
      %swap3A_123 = arith.index_cast %add3A_122 : i32 to index
      %swap3A_124 = tpu.vector_load %arg7[%swap3A_123] {strides = array<i32>} : memref<25088xf32, #tpu.memory_space<vmem>>, vector<16xf32>,
      tpu.vector_store %arg7[%swap3A_123], %gather3A_118 {strides = array<i32>} : memref<25088xf32, #tpu.memory_space<vmem>>, vector<16xf32>,
      %mul3A_125 = arith.constant 128 : i32
      %mul3A_126 = arith.muli %while3A_51, %mul3A_125 : i32
      %add3A_127 = arith.constant 80 : i32
      %add3A_128 = arith.addi %mul3A_126, %add3A_127 : i32
      %get3A_129 = arith.constant 0 : i32
      %get3A_130 = arith.index_cast %get3A_129 : i32 to index
      %get3A_131 = arith.index_cast %add3A_128 : i32 to index
      %get3A_132 = tpu.vector_load %arg6[%get3A_130, %get3A_131] {strides = array<i32>} : memref<2x25088xi32, #tpu.memory_space<vmem>>, vector<16xi32>,
      %gather3A_133 = tpu.vector_load_idx %arg5[%get3A_132] : memref<50176xf32, #tpu.memory_space<vmem>>[vector<16xi32>], vector<16xf32>,
      %mul3A_134 = arith.constant 128 : i32
      %mul3A_135 = arith.muli %while3A_51, %mul3A_134 : i32
      %add3A_136 = arith.constant 80 : i32
      %add3A_137 = arith.addi %mul3A_135, %add3A_136 : i32
      %swap3A_138 = arith.index_cast %add3A_137 : i32 to index
      %swap3A_139 = tpu.vector_load %arg7[%swap3A_138] {strides = array<i32>} : memref<25088xf32, #tpu.memory_space<vmem>>, vector<16xf32>,
      tpu.vector_store %arg7[%swap3A_138], %gather3A_133 {strides = array<i32>} : memref<25088xf32, #tpu.memory_space<vmem>>, vector<16xf32>,
      %mul3A_140 = arith.constant 128 : i32
      %mul3A_141 = arith.muli %while3A_51, %mul3A_140 : i32
      %add3A_142 = arith.constant 96 : i32
      %add3A_143 = arith.addi %mul3A_141, %add3A_142 : i32
      %get3A_144 = arith.constant 0 : i32
      %get3A_145 = arith.index_cast %get3A_144 : i32 to index
      %get3A_146 = arith.index_cast %add3A_143 : i32 to index
      %get3A_147 = tpu.vector_load %arg6[%get3A_145, %get3A_146] {strides = array<i32>} : memref<2x25088xi32, #tpu.memory_space<vmem>>, vector<16xi32>,
      %gather3A_148 = tpu.vector_load_idx %arg5[%get3A_147] : memref<50176xf32, #tpu.memory_space<vmem>>[vector<16xi32>], vector<16xf32>,
      %mul3A_149 = arith.constant 128 : i32
      %mul3A_150 = arith.muli %while3A_51, %mul3A_149 : i32
      %add3A_151 = arith.constant 96 : i32
      %add3A_152 = arith.addi %mul3A_150, %add3A_151 : i32
      %swap3A_153 = arith.index_cast %add3A_152 : i32 to index
      %swap3A_154 = tpu.vector_load %arg7[%swap3A_153] {strides = array<i32>} : memref<25088xf32, #tpu.memory_space<vmem>>, vector<16xf32>,
      tpu.vector_store %arg7[%swap3A_153], %gather3A_148 {strides = array<i32>} : memref<25088xf32, #tpu.memory_space<vmem>>, vector<16xf32>,
      %mul3A_155 = arith.constant 128 : i32
      %mul3A_156 = arith.muli %while3A_51, %mul3A_155 : i32
      %add3A_157 = arith.constant 112 : i32
      %add3A_158 = arith.addi %mul3A_156, %add3A_157 : i32
      %get3A_159 = arith.constant 0 : i32
      %get3A_160 = arith.index_cast %get3A_159 : i32 to index
      %get3A_161 = arith.index_cast %add3A_158 : i32 to index
      %get3A_162 = tpu.vector_load %arg6[%get3A_160, %get3A_161] {strides = array<i32>} : memref<2x25088xi32, #tpu.memory_space<vmem>>, vector<16xi32>,
      %gather3A_163 = tpu.vector_load_idx %arg5[%get3A_162] : memref<50176xf32, #tpu.memory_space<vmem>>[vector<16xi32>], vector<16xf32>,
      %mul3A_164 = arith.constant 128 : i32
      %mul3A_165 = arith.muli %while3A_51, %mul3A_164 : i32
      %add3A_166 = arith.constant 112 : i32
      %add3A_167 = arith.addi %mul3A_165, %add3A_166 : i32
      %swap3A_168 = arith.index_cast %add3A_167 : i32 to index
      %swap3A_169 = tpu.vector_load %arg7[%swap3A_168] {strides = array<i32>} : memref<25088xf32, #tpu.memory_space<vmem>>, vector<16xf32>,
      tpu.vector_store %arg7[%swap3A_168], %gather3A_163 {strides = array<i32>} : memref<25088xf32, #tpu.memory_space<vmem>>, vector<16xf32>,
      %mul3A_170 = arith.constant 128 : i32
      %mul3A_171 = arith.muli %while3A_51, %mul3A_170 : i32
      %mul3A_172 = arith.constant 128 : i32
      %mul3A_173 = arith.muli %while3A_51, %mul3A_172 : i32
      %dma_start3A_174 = arith.constant 1 : i32
      %dma_start3A_175 = tpu.memref_slice %arg7[%mul3A_171] : memref<25088xf32, #tpu.memory_space<vmem>> -> memref<128xf32, #tpu.memory_space<vmem>>
      %dma_start3A_176 = tpu.memref_slice %arg6[%dma_start3A_174, %mul3A_173] : memref<2x25088xi32, #tpu.memory_space<vmem>> -> memref<1x128xi32, #tpu.memory_space<vmem>>
      %dma_start3A_177 = tpu.memref_squeeze %dma_start3A_176 : memref<1x128xi32, #tpu.memory_space<vmem>> -> memref<128xi32, #tpu.memory_space<vmem>>
      %dma_start3A_178 = arith.constant 0 : i32
      %dma_start3A_179 = tpu.memref_slice %arg8[%dma_start3A_178] : memref<50176xf32, #tpu.memory_space<vmem_shared>> -> memref<50176xf32, #tpu.memory_space<vmem_shared>>
      tpu.enqueue_indirect_dma source(%dma_start3A_175 : memref<128xf32, #tpu.memory_space<vmem>>) target(%dma_start3A_179 : memref<50176xf32, #tpu.memory_space<vmem_shared>>) offsets(%dma_start3A_177 : memref<128xi32, #tpu.memory_space<vmem>>) semaphore(%arg11 : memref<!tpu.dma_semaphore, #tpu.memory_space<semaphore_mem>>) {add = true}
      %while3A_180 = arith.constant 0 : i32
      scf.yield %while3A_180 : i32
    }
    %while3A_31 = arith.constant 196 : i32
    %while3A_32 = arith.constant 0 : i32
    %while3A_33 = arith.subi %while3A_31, %select_n3A : i32
    %while3A_34 = arith.addi %select_n3A, %while3A_33 : i32
    %while3A_35 = arith.constant 1 : i32
    %while3A_36 = arith.divsi %while3A_33, %while3A_35 : i32
    %while3A_37 = arith.muli %while3A_36, %while3A_35 : i32
    %while3A_38 = arith.addi %select_n3A, %while3A_37 : i32
    %while3A_39 = arith.constant 1 : i32
    %while3A_40 = scf.for %while3A_51 = %select_n3A to %while3A_38 step %while3A_39 iter_args(%while3A_52 = %while3A_32) -> (i32)  : i32 {
      %mul3A_53 = arith.constant 128 : i32
      %mul3A_54 = arith.muli %while3A_51, %mul3A_53 : i32
      %mul3A_55 = arith.constant 128 : i32
      %mul3A_56 = arith.muli %while3A_51, %mul3A_55 : i32
      %dma_wait3A_57 = arith.constant 1 : i32
      %dma_wait3A_58 = tpu.memref_slice %arg7[%mul3A_54] : memref<25088xf32, #tpu.memory_space<vmem>> -> memref<128xf32, #tpu.memory_space<vmem>>
      %dma_wait3A_59 = tpu.memref_slice %arg6[%dma_wait3A_57, %mul3A_56] : memref<2x25088xi32, #tpu.memory_space<vmem>> -> memref<1x128xi32, #tpu.memory_space<vmem>>
      %dma_wait3A_60 = tpu.memref_squeeze %dma_wait3A_59 : memref<1x128xi32, #tpu.memory_space<vmem>> -> memref<128xi32, #tpu.memory_space<vmem>>
      %dma_wait3A_61 = arith.constant 0 : i32
      %dma_wait3A_62 = tpu.memref_slice %arg8[%dma_wait3A_61] : memref<50176xf32, #tpu.memory_space<vmem_shared>> -> memref<50176xf32, #tpu.memory_space<vmem_shared>>
      tpu.wait_indirect_dma semaphore(%arg11 : memref<!tpu.dma_semaphore, #tpu.memory_space<semaphore_mem>>) src(%dma_wait3A_58 : memref<128xf32, #tpu.memory_space<vmem>>) dst(%dma_wait3A_62 : memref<50176xf32, #tpu.memory_space<vmem_shared>>)
      %while3A_63 = arith.constant 0 : i32
      scf.yield %while3A_63 : i32
    }
    %while3A_41 = arith.constant 1 : i32
    %while3A_42 = scf.for %while3A_51 = %while3A_38 to %while3A_34 step %while3A_41 iter_args(%while3A_52 = %while3A_40) -> (i32)  : i32 {
      %mul3A_53 = arith.constant 128 : i32
      %mul3A_54 = arith.muli %while3A_51, %mul3A_53 : i32
      %mul3A_55 = arith.constant 128 : i32
      %mul3A_56 = arith.muli %while3A_51, %mul3A_55 : i32
      %dma_wait3A_57 = arith.constant 1 : i32
      %dma_wait3A_58 = tpu.memref_slice %arg7[%mul3A_54] : memref<25088xf32, #tpu.memory_space<vmem>> -> memref<128xf32, #tpu.memory_space<vmem>>
      %dma_wait3A_59 = tpu.memref_slice %arg6[%dma_wait3A_57, %mul3A_56] : memref<2x25088xi32, #tpu.memory_space<vmem>> -> memref<1x128xi32, #tpu.memory_space<vmem>>
      %dma_wait3A_60 = tpu.memref_squeeze %dma_wait3A_59 : memref<1x128xi32, #tpu.memory_space<vmem>> -> memref<128xi32, #tpu.memory_space<vmem>>
      %dma_wait3A_61 = arith.constant 0 : i32
      %dma_wait3A_62 = tpu.memref_slice %arg8[%dma_wait3A_61] : memref<50176xf32, #tpu.memory_space<vmem_shared>> -> memref<50176xf32, #tpu.memory_space<vmem_shared>>
      tpu.wait_indirect_dma semaphore(%arg11 : memref<!tpu.dma_semaphore, #tpu.memory_space<semaphore_mem>>) src(%dma_wait3A_58 : memref<128xf32, #tpu.memory_space<vmem>>) dst(%dma_wait3A_62 : memref<50176xf32, #tpu.memory_space<vmem_shared>>)
      %while3A_63 = arith.constant 0 : i32
      scf.yield %while3A_63 : i32
    }
    %barrier3A_43 = arith.constant 0 : index
    tpu.barrier barrier_id(%barrier3A_43)
    %mul3A_44 = arith.constant 3136 : i32
    %mul3A_45 = arith.muli %arg1, %mul3A_44 : i32
    "tpu.region"() ({
      %run_scoped3A = tpu.sem_alloc : memref<!tpu.dma_semaphore, #tpu.memory_space<semaphore_mem>>
      %dma_start3A_51 = arith.constant 0 : i32
      %dma_start3A_52 = tpu.memref_slice %arg7[%dma_start3A_51] : memref<25088xf32, #tpu.memory_space<vmem>> -> memref<3136xf32, #tpu.memory_space<vmem>>
      %dma_start3A_53 = tpu.memref_slice %arg8[%mul3A_45] : memref<50176xf32, #tpu.memory_space<vmem_shared>> -> memref<3136xf32, #tpu.memory_space<vmem_shared>>
      %dma_start3A_54 = arith.constant 0 : i32
      %dma_start3A_55 = tpu.memref_slice %arg7[%dma_start3A_54] : memref<25088xf32, #tpu.memory_space<vmem>> -> memref<3136xf32, #tpu.memory_space<vmem>>
      %dma_start3A_56 = tpu.memref_slice %arg8[%mul3A_45] : memref<50176xf32, #tpu.memory_space<vmem_shared>> -> memref<3136xf32, #tpu.memory_space<vmem_shared>>
      tpu.enqueue_dma source(%dma_start3A_56 : memref<3136xf32, #tpu.memory_space<vmem_shared>>) target(%dma_start3A_55 : memref<3136xf32, #tpu.memory_space<vmem>>) target_semaphore(%run_scoped3A : memref<!tpu.dma_semaphore, #tpu.memory_space<semaphore_mem>>)
      %dma_wait3A_57 = arith.constant 0 : i32
      %dma_wait3A_58 = tpu.memref_slice %arg7[%dma_wait3A_57] : memref<25088xf32, #tpu.memory_space<vmem>> -> memref<3136xf32, #tpu.memory_space<vmem>>
      %dma_wait3A_59 = tpu.memref_slice %arg8[%mul3A_45] : memref<50176xf32, #tpu.memory_space<vmem_shared>> -> memref<3136xf32, #tpu.memory_space<vmem_shared>>
      %dma_wait3A_60 = arith.constant 0 : i32
      %dma_wait3A_61 = tpu.memref_slice %arg7[%dma_wait3A_60] : memref<25088xf32, #tpu.memory_space<vmem>> -> memref<3136xf32, #tpu.memory_space<vmem>>
      %dma_wait3A_62 = tpu.memref_slice %arg8[%mul3A_45] : memref<50176xf32, #tpu.memory_space<vmem_shared>> -> memref<3136xf32, #tpu.memory_space<vmem_shared>>
      tpu.wait_dma2 semaphore(%run_scoped3A : memref<!tpu.dma_semaphore, #tpu.memory_space<semaphore_mem>>) src(%dma_wait3A_62 : memref<3136xf32, #tpu.memory_space<vmem_shared>>) dst(%dma_wait3A_61 : memref<3136xf32, #tpu.memory_space<vmem>>)
      tpu.yield
    }) : () -> ()
    %mul3A_46 = arith.constant 50176 : i32
    %mul3A_47 = arith.muli %arg0, %mul3A_46 : i32
    %mul3A_48 = arith.constant 3136 : i32
    %mul3A_49 = arith.muli %arg1, %mul3A_48 : i32
    %add3A_50 = arith.addi %mul3A_47, %mul3A_49 : i32
    "tpu.region"() ({
      %run_scoped3A = tpu.sem_alloc : memref<!tpu.dma_semaphore, #tpu.memory_space<semaphore_mem>>
      %dma_start3A_51 = arith.constant 0 : i32
      %dma_start3A_52 = tpu.memref_slice %arg7[%dma_start3A_51] : memref<25088xf32, #tpu.memory_space<vmem>> -> memref<3136xf32, #tpu.memory_space<vmem>>
      %dma_start3A_53 = tpu.memref_slice %arg4[%add3A_50] : memref<100352xf32, #tpu.memory_space<hbm>> -> memref<3136xf32, #tpu.memory_space<hbm>>
      %dma_start3A_54 = tpu.memref_slice %arg4[%add3A_50] : memref<100352xf32, #tpu.memory_space<hbm>> -> memref<3136xf32, #tpu.memory_space<hbm>>
      %dma_start3A_55 = arith.constant 0 : i32
      %dma_start3A_56 = tpu.memref_slice %arg7[%dma_start3A_55] : memref<25088xf32, #tpu.memory_space<vmem>> -> memref<3136xf32, #tpu.memory_space<vmem>>
      tpu.enqueue_dma source(%dma_start3A_56 : memref<3136xf32, #tpu.memory_space<vmem>>) target(%dma_start3A_54 : memref<3136xf32, #tpu.memory_space<hbm>>) target_semaphore(%run_scoped3A : memref<!tpu.dma_semaphore, #tpu.memory_space<semaphore_mem>>)
      %dma_wait3A_57 = arith.constant 0 : i32
      %dma_wait3A_58 = tpu.memref_slice %arg7[%dma_wait3A_57] : memref<25088xf32, #tpu.memory_space<vmem>> -> memref<3136xf32, #tpu.memory_space<vmem>>
      %dma_wait3A_59 = tpu.memref_slice %arg4[%add3A_50] : memref<100352xf32, #tpu.memory_space<hbm>> -> memref<3136xf32, #tpu.memory_space<hbm>>
      %dma_wait3A_60 = tpu.memref_slice %arg4[%add3A_50] : memref<100352xf32, #tpu.memory_space<hbm>> -> memref<3136xf32, #tpu.memory_space<hbm>>
      %dma_wait3A_61 = arith.constant 0 : i32
      %dma_wait3A_62 = tpu.memref_slice %arg7[%dma_wait3A_61] : memref<25088xf32, #tpu.memory_space<vmem>> -> memref<3136xf32, #tpu.memory_space<vmem>>
      tpu.wait_dma2 semaphore(%run_scoped3A : memref<!tpu.dma_semaphore, #tpu.memory_space<semaphore_mem>>) src(%dma_wait3A_62 : memref<3136xf32, #tpu.memory_space<vmem>>) dst(%dma_wait3A_60 : memref<3136xf32, #tpu.memory_space<hbm>>)
      tpu.yield
    }) : () -> ()
    return
  }
}

#map = affine_map<(d0, d1) -> (0, 0)>
#map1 = affine_map<(d0, d1) -> (0)>
module attributes {stable_mosaic.version = 14 : i64} {
  func.func @_deg_kernel(%arg0: i32, %arg1: i32, %arg2: memref<2x800000xi32, #tpu.memory_space<hbm>>, %arg3: memref<1x128xf32, #tpu.memory_space<hbm>>, %arg4: memref<100352xf32, #tpu.memory_space<hbm>>, %arg5: memref<2x25088xi32, #tpu.memory_space<vmem>>, %arg6: memref<1x128xf32, #tpu.memory_space<vmem>>, %arg7: memref<3136xf32, #tpu.memory_space<vmem>>, %arg8: memref<50176xf32, #tpu.memory_space<vmem_shared>>, %arg9: memref<!tpu.dma_semaphore, #tpu.memory_space<semaphore_mem>>, %arg10: memref<!tpu.dma_semaphore, #tpu.memory_space<semaphore_mem>>) attributes {dimension_semantics = [#tpu.dimension_semantics<core_parallel>, #tpu.dimension_semantics<subcore_parallel>], iteration_bounds = array<i64: 2, 16>, scalar_prefetch = 0 : i64, scratch_operands = 6 : i64, tpu.core_type = #tpu.core_type<sc_vector_subcore>, window_params = [{transform_indices = #map}, {transform_indices = #map}, {transform_indices = #map1}]} {
    %mul3A = arith.constant 16 : i32
    %mul3A_0 = arith.muli %arg0, %mul3A : i32
    %add3A = arith.addi %mul3A_0, %arg1 : i32
    %mul3A_1 = arith.constant 25088 : i32
    %mul3A_2 = arith.muli %add3A, %mul3A_1 : i32
    %min3A = arith.constant 774912 : i32
    %min3A_3 = arith.minsi %mul3A_2, %min3A : i32
    %eq3A = arith.constant 31 : i32
    %eq3A_4 = arith.cmpi eq, %add3A, %eq3A : i32
    %jit3A = arith.constant 22 : i32
    %jit3A_5 = arith.constant 0 : i32
    %select_n3A = arith.select %eq3A_4, %jit3A, %jit3A_5 : i32
    %dma_start3A = arith.constant 0 : i32
    %dma_start3A_6 = tpu.memref_slice %arg2[%dma_start3A, %min3A_3] : memref<2x800000xi32, #tpu.memory_space<hbm>> -> memref<2x25088xi32, #tpu.memory_space<hbm>>
    %dma_start3A_7 = arith.constant 0 : i32
    %dma_start3A_8 = tpu.memref_slice %arg2[%dma_start3A_7, %min3A_3] : memref<2x800000xi32, #tpu.memory_space<hbm>> -> memref<2x25088xi32, #tpu.memory_space<hbm>>
    tpu.enqueue_dma source(%dma_start3A_8 : memref<2x25088xi32, #tpu.memory_space<hbm>>) target(%arg5 : memref<2x25088xi32, #tpu.memory_space<vmem>>) target_semaphore(%arg9 : memref<!tpu.dma_semaphore, #tpu.memory_space<semaphore_mem>>)
    "tpu.region"() ({
      %run_scoped3A = tpu.sem_alloc : memref<!tpu.dma_semaphore, #tpu.memory_space<semaphore_mem>>
      tpu.enqueue_dma source(%arg3 : memref<1x128xf32, #tpu.memory_space<hbm>>) target(%arg6 : memref<1x128xf32, #tpu.memory_space<vmem>>) target_semaphore(%run_scoped3A : memref<!tpu.dma_semaphore, #tpu.memory_space<semaphore_mem>>)
      tpu.wait_dma2 semaphore(%run_scoped3A : memref<!tpu.dma_semaphore, #tpu.memory_space<semaphore_mem>>) src(%arg3 : memref<1x128xf32, #tpu.memory_space<hbm>>) dst(%arg6 : memref<1x128xf32, #tpu.memory_space<vmem>>)
      tpu.yield
    }) : () -> ()
    %scan3A = arith.constant 0 : i32
    %scan3A_9 = arith.constant 0 : i32
    %scan3A_10 = arith.constant 196 : i32
    %scan3A_11 = arith.addi %scan3A_9, %scan3A_10 : i32
    %scan3A_12 = arith.constant 1 : i32
    %scan3A_13 = scf.for %scan3A_51 = %scan3A_9 to %scan3A_11 step %scan3A_12 iter_args(%scan3A_52 = %scan3A) -> (i32)  : i32 {
      %broadcast_in_dim3A = arith.constant 0.000000e+00 : f32
      %broadcast_in_dim3A_53 = vector.broadcast %broadcast_in_dim3A : f32 to vector<16xf32>
      %mul3A_54 = arith.constant 16 : i32
      %mul3A_55 = arith.muli %scan3A_51, %mul3A_54 : i32
      %swap3A = arith.index_cast %mul3A_55 : i32 to index
      %swap3A_56 = tpu.vector_load %arg7[%swap3A] {strides = array<i32>} : memref<3136xf32, #tpu.memory_space<vmem>>, vector<16xf32>,
      tpu.vector_store %arg7[%swap3A], %broadcast_in_dim3A_53 {strides = array<i32>} : memref<3136xf32, #tpu.memory_space<vmem>>, vector<16xf32>,
      %scan3A_57 = arith.constant 0 : i32
      scf.yield %scan3A_57 : i32
    }
    %scan3A_14 = arith.constant 196 : i32
    %mul3A_15 = arith.constant 3136 : i32
    %mul3A_16 = arith.muli %arg1, %mul3A_15 : i32
    "tpu.region"() ({
      %run_scoped3A = tpu.sem_alloc : memref<!tpu.dma_semaphore, #tpu.memory_space<semaphore_mem>>
      %dma_start3A_51 = arith.constant 0 : i32
      %dma_start3A_52 = tpu.memref_slice %arg7[%dma_start3A_51] : memref<3136xf32, #tpu.memory_space<vmem>> -> memref<3136xf32, #tpu.memory_space<vmem>>
      %dma_start3A_53 = tpu.memref_slice %arg8[%mul3A_16] : memref<50176xf32, #tpu.memory_space<vmem_shared>> -> memref<3136xf32, #tpu.memory_space<vmem_shared>>
      %dma_start3A_54 = tpu.memref_slice %arg8[%mul3A_16] : memref<50176xf32, #tpu.memory_space<vmem_shared>> -> memref<3136xf32, #tpu.memory_space<vmem_shared>>
      %dma_start3A_55 = arith.constant 0 : i32
      %dma_start3A_56 = tpu.memref_slice %arg7[%dma_start3A_55] : memref<3136xf32, #tpu.memory_space<vmem>> -> memref<3136xf32, #tpu.memory_space<vmem>>
      tpu.enqueue_dma source(%dma_start3A_56 : memref<3136xf32, #tpu.memory_space<vmem>>) target(%dma_start3A_54 : memref<3136xf32, #tpu.memory_space<vmem_shared>>) target_semaphore(%run_scoped3A : memref<!tpu.dma_semaphore, #tpu.memory_space<semaphore_mem>>)
      %dma_wait3A_57 = arith.constant 0 : i32
      %dma_wait3A_58 = tpu.memref_slice %arg7[%dma_wait3A_57] : memref<3136xf32, #tpu.memory_space<vmem>> -> memref<3136xf32, #tpu.memory_space<vmem>>
      %dma_wait3A_59 = tpu.memref_slice %arg8[%mul3A_16] : memref<50176xf32, #tpu.memory_space<vmem_shared>> -> memref<3136xf32, #tpu.memory_space<vmem_shared>>
      %dma_wait3A_60 = tpu.memref_slice %arg8[%mul3A_16] : memref<50176xf32, #tpu.memory_space<vmem_shared>> -> memref<3136xf32, #tpu.memory_space<vmem_shared>>
      %dma_wait3A_61 = arith.constant 0 : i32
      %dma_wait3A_62 = tpu.memref_slice %arg7[%dma_wait3A_61] : memref<3136xf32, #tpu.memory_space<vmem>> -> memref<3136xf32, #tpu.memory_space<vmem>>
      tpu.wait_dma2 semaphore(%run_scoped3A : memref<!tpu.dma_semaphore, #tpu.memory_space<semaphore_mem>>) src(%dma_wait3A_62 : memref<3136xf32, #tpu.memory_space<vmem>>) dst(%dma_wait3A_60 : memref<3136xf32, #tpu.memory_space<vmem_shared>>)
      tpu.yield
    }) : () -> ()
    %dma_wait3A = arith.constant 0 : i32
    %dma_wait3A_17 = tpu.memref_slice %arg2[%dma_wait3A, %min3A_3] : memref<2x800000xi32, #tpu.memory_space<hbm>> -> memref<2x25088xi32, #tpu.memory_space<hbm>>
    %dma_wait3A_18 = arith.constant 0 : i32
    %dma_wait3A_19 = tpu.memref_slice %arg2[%dma_wait3A_18, %min3A_3] : memref<2x800000xi32, #tpu.memory_space<hbm>> -> memref<2x25088xi32, #tpu.memory_space<hbm>>
    tpu.wait_dma2 semaphore(%arg9 : memref<!tpu.dma_semaphore, #tpu.memory_space<semaphore_mem>>) src(%dma_wait3A_19 : memref<2x25088xi32, #tpu.memory_space<hbm>>) dst(%arg5 : memref<2x25088xi32, #tpu.memory_space<vmem>>)
    %barrier3A = arith.constant 0 : index
    tpu.barrier barrier_id(%barrier3A)
    %while3A = arith.constant 196 : i32
    %while3A_20 = arith.constant 0 : i32
    %while3A_21 = arith.subi %while3A, %select_n3A : i32
    %while3A_22 = arith.addi %select_n3A, %while3A_21 : i32
    %while3A_23 = arith.constant 1 : i32
    %while3A_24 = arith.divsi %while3A_21, %while3A_23 : i32
    %while3A_25 = arith.muli %while3A_24, %while3A_23 : i32
    %while3A_26 = arith.addi %select_n3A, %while3A_25 : i32
    %while3A_27 = arith.constant 1 : i32
    %while3A_28 = scf.for %while3A_51 = %select_n3A to %while3A_26 step %while3A_27 iter_args(%while3A_52 = %while3A_20) -> (i32)  : i32 {
      %mul3A_53 = arith.constant 128 : i32
      %mul3A_54 = arith.muli %while3A_51, %mul3A_53 : i32
      %dma_start3A_55 = arith.constant 0 : i32
      %dma_start3A_56 = arith.constant 1 : i32
      %dma_start3A_57 = arith.constant 0 : i32
      %dma_start3A_58 = tpu.memref_slice %arg6[%dma_start3A_55, %dma_start3A_57] : memref<1x128xf32, #tpu.memory_space<vmem>> -> memref<1x128xf32, #tpu.memory_space<vmem>>
      %dma_start3A_59 = tpu.memref_squeeze %dma_start3A_58 : memref<1x128xf32, #tpu.memory_space<vmem>> -> memref<128xf32, #tpu.memory_space<vmem>>
      %dma_start3A_60 = tpu.memref_slice %arg5[%dma_start3A_56, %mul3A_54] : memref<2x25088xi32, #tpu.memory_space<vmem>> -> memref<1x128xi32, #tpu.memory_space<vmem>>
      %dma_start3A_61 = tpu.memref_squeeze %dma_start3A_60 : memref<1x128xi32, #tpu.memory_space<vmem>> -> memref<128xi32, #tpu.memory_space<vmem>>
      %dma_start3A_62 = arith.constant 0 : i32
      %dma_start3A_63 = tpu.memref_slice %arg8[%dma_start3A_62] : memref<50176xf32, #tpu.memory_space<vmem_shared>> -> memref<50176xf32, #tpu.memory_space<vmem_shared>>
      tpu.enqueue_indirect_dma source(%dma_start3A_59 : memref<128xf32, #tpu.memory_space<vmem>>) target(%dma_start3A_63 : memref<50176xf32, #tpu.memory_space<vmem_shared>>) offsets(%dma_start3A_61 : memref<128xi32, #tpu.memory_space<vmem>>) semaphore(%arg10 : memref<!tpu.dma_semaphore, #tpu.memory_space<semaphore_mem>>) {add = true}
      %while3A_64 = arith.constant 0 : i32
      scf.yield %while3A_64 : i32
    }
    %while3A_29 = arith.constant 1 : i32
    %while3A_30 = scf.for %while3A_51 = %while3A_26 to %while3A_22 step %while3A_29 iter_args(%while3A_52 = %while3A_28) -> (i32)  : i32 {
      %mul3A_53 = arith.constant 128 : i32
      %mul3A_54 = arith.muli %while3A_51, %mul3A_53 : i32
      %dma_start3A_55 = arith.constant 0 : i32
      %dma_start3A_56 = arith.constant 1 : i32
      %dma_start3A_57 = arith.constant 0 : i32
      %dma_start3A_58 = tpu.memref_slice %arg6[%dma_start3A_55, %dma_start3A_57] : memref<1x128xf32, #tpu.memory_space<vmem>> -> memref<1x128xf32, #tpu.memory_space<vmem>>
      %dma_start3A_59 = tpu.memref_squeeze %dma_start3A_58 : memref<1x128xf32, #tpu.memory_space<vmem>> -> memref<128xf32, #tpu.memory_space<vmem>>
      %dma_start3A_60 = tpu.memref_slice %arg5[%dma_start3A_56, %mul3A_54] : memref<2x25088xi32, #tpu.memory_space<vmem>> -> memref<1x128xi32, #tpu.memory_space<vmem>>
      %dma_start3A_61 = tpu.memref_squeeze %dma_start3A_60 : memref<1x128xi32, #tpu.memory_space<vmem>> -> memref<128xi32, #tpu.memory_space<vmem>>
      %dma_start3A_62 = arith.constant 0 : i32
      %dma_start3A_63 = tpu.memref_slice %arg8[%dma_start3A_62] : memref<50176xf32, #tpu.memory_space<vmem_shared>> -> memref<50176xf32, #tpu.memory_space<vmem_shared>>
      tpu.enqueue_indirect_dma source(%dma_start3A_59 : memref<128xf32, #tpu.memory_space<vmem>>) target(%dma_start3A_63 : memref<50176xf32, #tpu.memory_space<vmem_shared>>) offsets(%dma_start3A_61 : memref<128xi32, #tpu.memory_space<vmem>>) semaphore(%arg10 : memref<!tpu.dma_semaphore, #tpu.memory_space<semaphore_mem>>) {add = true}
      %while3A_64 = arith.constant 0 : i32
      scf.yield %while3A_64 : i32
    }
    %while3A_31 = arith.constant 196 : i32
    %while3A_32 = arith.constant 0 : i32
    %while3A_33 = arith.subi %while3A_31, %select_n3A : i32
    %while3A_34 = arith.addi %select_n3A, %while3A_33 : i32
    %while3A_35 = arith.constant 1 : i32
    %while3A_36 = arith.divsi %while3A_33, %while3A_35 : i32
    %while3A_37 = arith.muli %while3A_36, %while3A_35 : i32
    %while3A_38 = arith.addi %select_n3A, %while3A_37 : i32
    %while3A_39 = arith.constant 1 : i32
    %while3A_40 = scf.for %while3A_51 = %select_n3A to %while3A_38 step %while3A_39 iter_args(%while3A_52 = %while3A_32) -> (i32)  : i32 {
      %mul3A_53 = arith.constant 128 : i32
      %mul3A_54 = arith.muli %while3A_51, %mul3A_53 : i32
      %dma_wait3A_55 = arith.constant 0 : i32
      %dma_wait3A_56 = arith.constant 1 : i32
      %dma_wait3A_57 = arith.constant 0 : i32
      %dma_wait3A_58 = tpu.memref_slice %arg6[%dma_wait3A_55, %dma_wait3A_57] : memref<1x128xf32, #tpu.memory_space<vmem>> -> memref<1x128xf32, #tpu.memory_space<vmem>>
      %dma_wait3A_59 = tpu.memref_squeeze %dma_wait3A_58 : memref<1x128xf32, #tpu.memory_space<vmem>> -> memref<128xf32, #tpu.memory_space<vmem>>
      %dma_wait3A_60 = tpu.memref_slice %arg5[%dma_wait3A_56, %mul3A_54] : memref<2x25088xi32, #tpu.memory_space<vmem>> -> memref<1x128xi32, #tpu.memory_space<vmem>>
      %dma_wait3A_61 = tpu.memref_squeeze %dma_wait3A_60 : memref<1x128xi32, #tpu.memory_space<vmem>> -> memref<128xi32, #tpu.memory_space<vmem>>
      %dma_wait3A_62 = arith.constant 0 : i32
      %dma_wait3A_63 = tpu.memref_slice %arg8[%dma_wait3A_62] : memref<50176xf32, #tpu.memory_space<vmem_shared>> -> memref<50176xf32, #tpu.memory_space<vmem_shared>>
      tpu.wait_indirect_dma semaphore(%arg10 : memref<!tpu.dma_semaphore, #tpu.memory_space<semaphore_mem>>) src(%dma_wait3A_59 : memref<128xf32, #tpu.memory_space<vmem>>) dst(%dma_wait3A_63 : memref<50176xf32, #tpu.memory_space<vmem_shared>>)
      %while3A_64 = arith.constant 0 : i32
      scf.yield %while3A_64 : i32
    }
    %while3A_41 = arith.constant 1 : i32
    %while3A_42 = scf.for %while3A_51 = %while3A_38 to %while3A_34 step %while3A_41 iter_args(%while3A_52 = %while3A_40) -> (i32)  : i32 {
      %mul3A_53 = arith.constant 128 : i32
      %mul3A_54 = arith.muli %while3A_51, %mul3A_53 : i32
      %dma_wait3A_55 = arith.constant 0 : i32
      %dma_wait3A_56 = arith.constant 1 : i32
      %dma_wait3A_57 = arith.constant 0 : i32
      %dma_wait3A_58 = tpu.memref_slice %arg6[%dma_wait3A_55, %dma_wait3A_57] : memref<1x128xf32, #tpu.memory_space<vmem>> -> memref<1x128xf32, #tpu.memory_space<vmem>>
      %dma_wait3A_59 = tpu.memref_squeeze %dma_wait3A_58 : memref<1x128xf32, #tpu.memory_space<vmem>> -> memref<128xf32, #tpu.memory_space<vmem>>
      %dma_wait3A_60 = tpu.memref_slice %arg5[%dma_wait3A_56, %mul3A_54] : memref<2x25088xi32, #tpu.memory_space<vmem>> -> memref<1x128xi32, #tpu.memory_space<vmem>>
      %dma_wait3A_61 = tpu.memref_squeeze %dma_wait3A_60 : memref<1x128xi32, #tpu.memory_space<vmem>> -> memref<128xi32, #tpu.memory_space<vmem>>
      %dma_wait3A_62 = arith.constant 0 : i32
      %dma_wait3A_63 = tpu.memref_slice %arg8[%dma_wait3A_62] : memref<50176xf32, #tpu.memory_space<vmem_shared>> -> memref<50176xf32, #tpu.memory_space<vmem_shared>>
      tpu.wait_indirect_dma semaphore(%arg10 : memref<!tpu.dma_semaphore, #tpu.memory_space<semaphore_mem>>) src(%dma_wait3A_59 : memref<128xf32, #tpu.memory_space<vmem>>) dst(%dma_wait3A_63 : memref<50176xf32, #tpu.memory_space<vmem_shared>>)
      %while3A_64 = arith.constant 0 : i32
      scf.yield %while3A_64 : i32
    }
    %barrier3A_43 = arith.constant 0 : index
    tpu.barrier barrier_id(%barrier3A_43)
    %mul3A_44 = arith.constant 3136 : i32
    %mul3A_45 = arith.muli %arg1, %mul3A_44 : i32
    "tpu.region"() ({
      %run_scoped3A = tpu.sem_alloc : memref<!tpu.dma_semaphore, #tpu.memory_space<semaphore_mem>>
      %dma_start3A_51 = arith.constant 0 : i32
      %dma_start3A_52 = tpu.memref_slice %arg7[%dma_start3A_51] : memref<3136xf32, #tpu.memory_space<vmem>> -> memref<3136xf32, #tpu.memory_space<vmem>>
      %dma_start3A_53 = tpu.memref_slice %arg8[%mul3A_45] : memref<50176xf32, #tpu.memory_space<vmem_shared>> -> memref<3136xf32, #tpu.memory_space<vmem_shared>>
      %dma_start3A_54 = arith.constant 0 : i32
      %dma_start3A_55 = tpu.memref_slice %arg7[%dma_start3A_54] : memref<3136xf32, #tpu.memory_space<vmem>> -> memref<3136xf32, #tpu.memory_space<vmem>>
      %dma_start3A_56 = tpu.memref_slice %arg8[%mul3A_45] : memref<50176xf32, #tpu.memory_space<vmem_shared>> -> memref<3136xf32, #tpu.memory_space<vmem_shared>>
      tpu.enqueue_dma source(%dma_start3A_56 : memref<3136xf32, #tpu.memory_space<vmem_shared>>) target(%dma_start3A_55 : memref<3136xf32, #tpu.memory_space<vmem>>) target_semaphore(%run_scoped3A : memref<!tpu.dma_semaphore, #tpu.memory_space<semaphore_mem>>)
      %dma_wait3A_57 = arith.constant 0 : i32
      %dma_wait3A_58 = tpu.memref_slice %arg7[%dma_wait3A_57] : memref<3136xf32, #tpu.memory_space<vmem>> -> memref<3136xf32, #tpu.memory_space<vmem>>
      %dma_wait3A_59 = tpu.memref_slice %arg8[%mul3A_45] : memref<50176xf32, #tpu.memory_space<vmem_shared>> -> memref<3136xf32, #tpu.memory_space<vmem_shared>>
      %dma_wait3A_60 = arith.constant 0 : i32
      %dma_wait3A_61 = tpu.memref_slice %arg7[%dma_wait3A_60] : memref<3136xf32, #tpu.memory_space<vmem>> -> memref<3136xf32, #tpu.memory_space<vmem>>
      %dma_wait3A_62 = tpu.memref_slice %arg8[%mul3A_45] : memref<50176xf32, #tpu.memory_space<vmem_shared>> -> memref<3136xf32, #tpu.memory_space<vmem_shared>>
      tpu.wait_dma2 semaphore(%run_scoped3A : memref<!tpu.dma_semaphore, #tpu.memory_space<semaphore_mem>>) src(%dma_wait3A_62 : memref<3136xf32, #tpu.memory_space<vmem_shared>>) dst(%dma_wait3A_61 : memref<3136xf32, #tpu.memory_space<vmem>>)
      tpu.yield
    }) : () -> ()
    %mul3A_46 = arith.constant 50176 : i32
    %mul3A_47 = arith.muli %arg0, %mul3A_46 : i32
    %mul3A_48 = arith.constant 3136 : i32
    %mul3A_49 = arith.muli %arg1, %mul3A_48 : i32
    %add3A_50 = arith.addi %mul3A_47, %mul3A_49 : i32
    "tpu.region"() ({
      %run_scoped3A = tpu.sem_alloc : memref<!tpu.dma_semaphore, #tpu.memory_space<semaphore_mem>>
      %dma_start3A_51 = arith.constant 0 : i32
      %dma_start3A_52 = tpu.memref_slice %arg7[%dma_start3A_51] : memref<3136xf32, #tpu.memory_space<vmem>> -> memref<3136xf32, #tpu.memory_space<vmem>>
      %dma_start3A_53 = tpu.memref_slice %arg4[%add3A_50] : memref<100352xf32, #tpu.memory_space<hbm>> -> memref<3136xf32, #tpu.memory_space<hbm>>
      %dma_start3A_54 = tpu.memref_slice %arg4[%add3A_50] : memref<100352xf32, #tpu.memory_space<hbm>> -> memref<3136xf32, #tpu.memory_space<hbm>>
      %dma_start3A_55 = arith.constant 0 : i32
      %dma_start3A_56 = tpu.memref_slice %arg7[%dma_start3A_55] : memref<3136xf32, #tpu.memory_space<vmem>> -> memref<3136xf32, #tpu.memory_space<vmem>>
      tpu.enqueue_dma source(%dma_start3A_56 : memref<3136xf32, #tpu.memory_space<vmem>>) target(%dma_start3A_54 : memref<3136xf32, #tpu.memory_space<hbm>>) target_semaphore(%run_scoped3A : memref<!tpu.dma_semaphore, #tpu.memory_space<semaphore_mem>>)
      %dma_wait3A_57 = arith.constant 0 : i32
      %dma_wait3A_58 = tpu.memref_slice %arg7[%dma_wait3A_57] : memref<3136xf32, #tpu.memory_space<vmem>> -> memref<3136xf32, #tpu.memory_space<vmem>>
      %dma_wait3A_59 = tpu.memref_slice %arg4[%add3A_50] : memref<100352xf32, #tpu.memory_space<hbm>> -> memref<3136xf32, #tpu.memory_space<hbm>>
      %dma_wait3A_60 = tpu.memref_slice %arg4[%add3A_50] : memref<100352xf32, #tpu.memory_space<hbm>> -> memref<3136xf32, #tpu.memory_space<hbm>>
      %dma_wait3A_61 = arith.constant 0 : i32
      %dma_wait3A_62 = tpu.memref_slice %arg7[%dma_wait3A_61] : memref<3136xf32, #tpu.memory_space<vmem>> -> memref<3136xf32, #tpu.memory_space<vmem>>
      tpu.wait_dma2 semaphore(%run_scoped3A : memref<!tpu.dma_semaphore, #tpu.memory_space<semaphore_mem>>) src(%dma_wait3A_62 : memref<3136xf32, #tpu.memory_space<vmem>>) dst(%dma_wait3A_60 : memref<3136xf32, #tpu.memory_space<hbm>>)
      tpu.yield
    }) : () -> ()
    return
  }
}

module attributes {stable_mosaic.version = 14 : i64} {
  func.func @_t2_body(%arg0: i32, %arg1: memref<56x128xf32, #tpu.memory_space<vmem>>, %arg2: memref<56x128xf32, #tpu.memory_space<vmem>>, %arg3: memref<56x128xf32, #tpu.memory_space<vmem>>, %arg4: memref<56x128xf32, #tpu.memory_space<vmem>>, %arg5: memref<56x128xf32, #tpu.memory_space<vmem>>, %arg6: memref<1x128xf32, #tpu.memory_space<smem>>, %arg7: memref<1x128xf32, #tpu.memory_space<smem>>, %arg8: memref<1x128xf32, #tpu.memory_space<smem>>, %arg9: memref<56x128xf32, #tpu.memory_space<vmem>>, %arg10: memref<56x128xf32, #tpu.memory_space<vmem>>) attributes {dimension_semantics = [#tpu.dimension_semantics<arbitrary>], iteration_bounds = array<i64: 7>, scalar_prefetch = 0 : i64, scratch_operands = 0 : i64, tpu.core_type = #tpu.core_type<tc>, window_params = [{transform_indices = @transform_0, window_bounds = array<i64: 56, 128>}, {transform_indices = @transform_1, window_bounds = array<i64: 56, 128>}, {transform_indices = @transform_2, window_bounds = array<i64: 56, 128>}, {transform_indices = @transform_3, window_bounds = array<i64: 56, 128>}, {transform_indices = @transform_4, window_bounds = array<i64: 56, 128>}, {transform_indices = @transform_5, window_bounds = array<i64: 1, 128>}, {transform_indices = @transform_6, window_bounds = array<i64: 1, 128>}, {transform_indices = @transform_7, window_bounds = array<i64: 1, 128>}, {transform_indices = @transform_8, window_bounds = array<i64: 56, 128>}, {transform_indices = @transform_9, window_bounds = array<i64: 56, 128>}]} {
    %get3A = arith.constant 0 : index
    %get3A_0 = arith.constant 0 : index
    %get3A_1 = vector.load %arg3[%get3A, %get3A_0] : memref<56x128xf32, #tpu.memory_space<vmem>>, vector<56x128xf32>
    %get3A_2 = arith.constant 0 : index
    %get3A_3 = arith.constant 0 : index
    %get3A_4 = vector.load %arg4[%get3A_2, %get3A_3] : memref<56x128xf32, #tpu.memory_space<vmem>>, vector<56x128xf32>
    %add3A = arith.addf %get3A_1, %get3A_4 : vector<56x128xf32>
    %add3A_5 = arith.constant 1.000000e+00 : f32
    %add3A_6 = vector.broadcast %add3A_5 : f32 to vector<56x128xf32>
    %add3A_7 = arith.addf %add3A, %add3A_6 : vector<56x128xf32>
    %rsqrt3A = math.rsqrt %add3A_7 : vector<56x128xf32>
    %mul3A = arith.constant 5.000000e-01 : f32
    %mul3A_8 = vector.broadcast %mul3A : f32 to vector<56x128xf32>
    %mul3A_9 = arith.mulf %mul3A_8, %add3A_7 : vector<56x128xf32>
    %mul3A_10 = arith.mulf %mul3A_9, %rsqrt3A : vector<56x128xf32>
    %mul3A_11 = arith.mulf %mul3A_10, %rsqrt3A : vector<56x128xf32>
    %sub3A = arith.constant 1.500000e+00 : f32
    %sub3A_12 = vector.broadcast %sub3A : f32 to vector<56x128xf32>
    %sub3A_13 = arith.subf %sub3A_12, %mul3A_11 : vector<56x128xf32>
    %mul3A_14 = arith.mulf %rsqrt3A, %sub3A_13 : vector<56x128xf32>
    %div3A = arith.constant 1.000000e+00 : f32
    %div3A_15 = vector.broadcast %div3A : f32 to vector<56x128xf32>
    %div3A_16 = arith.divf %div3A_15, %add3A_7 : vector<56x128xf32>
    %get3A_17 = arith.constant 0 : index
    %get3A_18 = arith.constant 0 : index
    %get3A_19 = vector.load %arg1[%get3A_17, %get3A_18] : memref<56x128xf32, #tpu.memory_space<vmem>>, vector<56x128xf32>
    %get3A_20 = arith.constant 0 : index
    %get3A_21 = arith.constant 0 : index
    %get3A_22 = vector.load %arg2[%get3A_20, %get3A_21] : memref<56x128xf32, #tpu.memory_space<vmem>>, vector<56x128xf32>
    %add3A_23 = arith.addf %get3A_19, %get3A_22 : vector<56x128xf32>
    %mul3A_24 = arith.mulf %mul3A_14, %add3A_23 : vector<56x128xf32>
    %get3A_25 = arith.constant 0 : index
    %get3A_26 = arith.constant 0 : index
    %get3A_27 = vector.load %arg5[%get3A_25, %get3A_26] : memref<56x128xf32, #tpu.memory_space<vmem>>, vector<56x128xf32>
    %mul3A_28 = arith.mulf %get3A_27, %div3A_16 : vector<56x128xf32>
    %add3A_29 = arith.addf %mul3A_24, %mul3A_28 : vector<56x128xf32>
    %broadcast_in_dim3A = arith.constant 0.000000e+00 : f32
    %broadcast_in_dim3A_30 = vector.broadcast %broadcast_in_dim3A : f32 to vector<56x128xf32>
    %scan3A = arith.constant 0 : i32
    %scan3A_31 = arith.constant 128 : i32
    %scan3A_32 = arith.addi %scan3A, %scan3A_31 : i32
    %scan3A_33 = arith.constant 1 : i32
    %scan3A_34 = scf.for %scan3A_43 = %scan3A to %scan3A_32 step %scan3A_33 iter_args(%scan3A_44 = %broadcast_in_dim3A_30) -> (vector<56x128xf32>)  : i32 {
      %get3A_45 = arith.constant 0 : index
      %get3A_46 = arith.index_cast %scan3A_43 : i32 to index
      %get3A_47 = memref.load %arg6[%get3A_45, %get3A_46] : memref<1x128xf32, #tpu.memory_space<smem>>
      %mul3A_48 = vector.broadcast %get3A_47 : f32 to vector<56x128xf32>
      %mul3A_49 = arith.mulf %add3A_29, %mul3A_48 : vector<56x128xf32>
      %get3A_50 = arith.constant 0 : index
      %get3A_51 = arith.index_cast %scan3A_43 : i32 to index
      %get3A_52 = memref.load %arg7[%get3A_50, %get3A_51] : memref<1x128xf32, #tpu.memory_space<smem>>
      %add3A_53 = vector.broadcast %get3A_52 : f32 to vector<56x128xf32>
      %add3A_54 = arith.addf %mul3A_49, %add3A_53 : vector<56x128xf32>
      %max3A = arith.constant 0.000000e+00 : f32
      %max3A_55 = vector.broadcast %max3A : f32 to vector<56x128xf32>
      %max3A_56 = arith.maximumf %add3A_54, %max3A_55 : vector<56x128xf32>
      %get3A_57 = arith.constant 0 : index
      %get3A_58 = arith.index_cast %scan3A_43 : i32 to index
      %get3A_59 = memref.load %arg8[%get3A_57, %get3A_58] : memref<1x128xf32, #tpu.memory_space<smem>>
      %mul3A_60 = vector.broadcast %get3A_59 : f32 to vector<56x128xf32>
      %mul3A_61 = arith.mulf %max3A_56, %mul3A_60 : vector<56x128xf32>
      %add3A_62 = arith.addf %scan3A_44, %mul3A_61 : vector<56x128xf32>
      scf.yield %add3A_62 : vector<56x128xf32>
    }
    %scan3A_35 = arith.constant 128 : i32
    %mul3A_36 = arith.mulf %scan3A_34, %mul3A_14 : vector<56x128xf32>
    %swap3A = arith.constant 0 : index
    %swap3A_37 = arith.constant 0 : index
    %swap3A_38 = vector.load %arg9[%swap3A, %swap3A_37] : memref<56x128xf32, #tpu.memory_space<vmem>>, vector<56x128xf32>
    tpu.vector_store %arg9[%swap3A, %swap3A_37], %mul3A_36 {strides = array<i32>} : memref<56x128xf32, #tpu.memory_space<vmem>>, vector<56x128xf32>,
    %mul3A_39 = arith.mulf %scan3A_34, %div3A_16 : vector<56x128xf32>
    %swap3A_40 = arith.constant 0 : index
    %swap3A_41 = arith.constant 0 : index
    %swap3A_42 = vector.load %arg10[%swap3A_40, %swap3A_41] : memref<56x128xf32, #tpu.memory_space<vmem>>, vector<56x128xf32>
    tpu.vector_store %arg10[%swap3A_40, %swap3A_41], %mul3A_39 {strides = array<i32>} : memref<56x128xf32, #tpu.memory_space<vmem>>, vector<56x128xf32>,
    return
  }
  func.func @transform_0(%arg0: i32) -> (i32, i32) {
    %c0_i32 = arith.constant 0 : i32
    %c0_i32_0 = arith.constant 0 : i32
    return %arg0, %c0_i32 : i32, i32
  }
  func.func @transform_1(%arg0: i32) -> (i32, i32) {
    %add3A = arith.constant 7 : i32
    %add3A_0 = arith.addi %arg0, %add3A : i32
    %c0_i32 = arith.constant 0 : i32
    %c0_i32_1 = arith.constant 0 : i32
    return %add3A_0, %c0_i32 : i32, i32
  }
  func.func @transform_2(%arg0: i32) -> (i32, i32) {
    %c0_i32 = arith.constant 0 : i32
    %c0_i32_0 = arith.constant 0 : i32
    return %arg0, %c0_i32 : i32, i32
  }
  func.func @transform_3(%arg0: i32) -> (i32, i32) {
    %add3A = arith.constant 7 : i32
    %add3A_0 = arith.addi %arg0, %add3A : i32
    %c0_i32 = arith.constant 0 : i32
    %c0_i32_1 = arith.constant 0 : i32
    return %add3A_0, %c0_i32 : i32, i32
  }
  func.func @transform_4(%arg0: i32) -> (i32, i32) {
    %c0_i32 = arith.constant 0 : i32
    %c0_i32_0 = arith.constant 0 : i32
    return %arg0, %c0_i32 : i32, i32
  }
  func.func @transform_5(%arg0: i32) -> (i32, i32) {
    %c0_i32 = arith.constant 0 : i32
    %c0_i32_0 = arith.constant 0 : i32
    %c0_i32_1 = arith.constant 0 : i32
    return %c0_i32, %c0_i32_0 : i32, i32
  }
  func.func @transform_6(%arg0: i32) -> (i32, i32) {
    %c0_i32 = arith.constant 0 : i32
    %c0_i32_0 = arith.constant 0 : i32
    %c0_i32_1 = arith.constant 0 : i32
    return %c0_i32, %c0_i32_0 : i32, i32
  }
  func.func @transform_7(%arg0: i32) -> (i32, i32) {
    %c0_i32 = arith.constant 0 : i32
    %c0_i32_0 = arith.constant 0 : i32
    %c0_i32_1 = arith.constant 0 : i32
    return %c0_i32, %c0_i32_0 : i32, i32
  }
  func.func @transform_8(%arg0: i32) -> (i32, i32) {
    %c0_i32 = arith.constant 0 : i32
    %c0_i32_0 = arith.constant 0 : i32
    return %arg0, %c0_i32 : i32, i32
  }
  func.func @transform_9(%arg0: i32) -> (i32, i32) {
    %c0_i32 = arith.constant 0 : i32
    %c0_i32_0 = arith.constant 0 : i32
    return %arg0, %c0_i32 : i32, i32
  }
}

module attributes {stable_mosaic.version = 14 : i64} {
  func.func @_t3_body(%arg0: memref<784x128xf32, #tpu.memory_space<vmem>>, %arg1: memref<784x128xf32, #tpu.memory_space<vmem>>, %arg2: memref<392x128xf32, #tpu.memory_space<vmem>>, %arg3: memref<1x1xf32, #tpu.memory_space<smem>>, %arg4: memref<392x128xf32, #tpu.memory_space<vmem>>) attributes {dimension_semantics = [], scalar_prefetch = 0 : i64, scratch_operands = 0 : i64, tpu.core_type = #tpu.core_type<tc>} {
    %get3A = arith.constant 0 : index
    %get3A_0 = arith.constant 0 : index
    %get3A_1 = vector.load %arg0[%get3A, %get3A_0] : memref<784x128xf32, #tpu.memory_space<vmem>>, vector<784x128xf32>
    %get3A_2 = arith.constant 0 : index
    %get3A_3 = arith.constant 0 : index
    %get3A_4 = vector.load %arg1[%get3A_2, %get3A_3] : memref<784x128xf32, #tpu.memory_space<vmem>>, vector<784x128xf32>
    %slice3A = vector.extract_strided_slice %get3A_4 {offsets = [0, 0], sizes = [392, 128], strides = [1, 1]} : vector<784x128xf32> to vector<392x128xf32>
    %slice3A_5 = vector.extract_strided_slice %get3A_4 {offsets = [392, 0], sizes = [392, 128], strides = [1, 1]} : vector<784x128xf32> to vector<392x128xf32>
    %add3A = arith.addf %slice3A, %slice3A_5 : vector<392x128xf32>
    %add3A_6 = arith.constant 1.000000e+00 : f32
    %add3A_7 = vector.broadcast %add3A_6 : f32 to vector<392x128xf32>
    %add3A_8 = arith.addf %add3A, %add3A_7 : vector<392x128xf32>
    %rsqrt3A = math.rsqrt %add3A_8 : vector<392x128xf32>
    %mul3A = arith.constant 5.000000e-01 : f32
    %mul3A_9 = vector.broadcast %mul3A : f32 to vector<392x128xf32>
    %mul3A_10 = arith.mulf %mul3A_9, %add3A_8 : vector<392x128xf32>
    %mul3A_11 = arith.mulf %mul3A_10, %rsqrt3A : vector<392x128xf32>
    %mul3A_12 = arith.mulf %mul3A_11, %rsqrt3A : vector<392x128xf32>
    %sub3A = arith.constant 1.500000e+00 : f32
    %sub3A_13 = vector.broadcast %sub3A : f32 to vector<392x128xf32>
    %sub3A_14 = arith.subf %sub3A_13, %mul3A_12 : vector<392x128xf32>
    %mul3A_15 = arith.mulf %rsqrt3A, %sub3A_14 : vector<392x128xf32>
    %slice3A_16 = vector.extract_strided_slice %get3A_1 {offsets = [0, 0], sizes = [392, 128], strides = [1, 1]} : vector<784x128xf32> to vector<392x128xf32>
    %slice3A_17 = vector.extract_strided_slice %get3A_1 {offsets = [392, 0], sizes = [392, 128], strides = [1, 1]} : vector<784x128xf32> to vector<392x128xf32>
    %add3A_18 = arith.addf %slice3A_16, %slice3A_17 : vector<392x128xf32>
    %mul3A_19 = arith.mulf %mul3A_15, %add3A_18 : vector<392x128xf32>
    %get3A_20 = arith.constant 0 : index
    %get3A_21 = arith.constant 0 : index
    %get3A_22 = vector.load %arg2[%get3A_20, %get3A_21] : memref<392x128xf32, #tpu.memory_space<vmem>>, vector<392x128xf32>
    %add3A_23 = arith.addf %mul3A_19, %get3A_22 : vector<392x128xf32>
    %get3A_24 = arith.constant 0 : index
    %get3A_25 = arith.constant 0 : index
    %get3A_26 = memref.load %arg3[%get3A_24, %get3A_25] : memref<1x1xf32, #tpu.memory_space<smem>>
    %add3A_27 = vector.broadcast %get3A_26 : f32 to vector<392x128xf32>
    %add3A_28 = arith.addf %add3A_23, %add3A_27 : vector<392x128xf32>
    %swap3A = arith.constant 0 : index
    %swap3A_29 = arith.constant 0 : index
    %swap3A_30 = vector.load %arg4[%swap3A, %swap3A_29] : memref<392x128xf32, #tpu.memory_space<vmem>>, vector<392x128xf32>
    tpu.vector_store %arg4[%swap3A, %swap3A_29], %add3A_28 {strides = array<i32>} : memref<392x128xf32, #tpu.memory_space<vmem>>, vector<392x128xf32>,
    return
  }
}

</mosaic_0001>

<sc_bundles>
// kernel: kernel.10.cloned.1.call-start
scs
__scs_entry_jumppad:
0x0: {  	(pc) =	sbr.rel $0x88, $3  }
0x1: {  	(tag) =	ssettag $0x0;
	lr =	simm.s32 $0x1  }
0x2: {  	[smem:$0x3F9B] =	sst lr;
	_ =	strace $0xD0000000  }
0x3: {  	_ = 	snop  }
0x4: {  	_ = 	snop  }
0x5: {  	_ = 	snop  }
0x6: {  	_ = 	snop  }
0x7: {  	_ = 	snop  }
__scs_overlays_trampoline_lowered:
0x8: {  	[smem:$0x3FAA] =	sst s0  }
0x9: {  	[smem:$0x3FAB] =	sst s1  }
0xa: {  	[smem:$0x3FAC] =	sst s2  }
0xb: {  	[smem:$0x3FAD] =	sst s3  }
0xc: {  	[smem:$0x3FAE] =	sst s4  }
0xd: {  	[smem:$0x3FAF] =	sst s5  }
0xe: {  	[smem:$0x3FB0] =	sst s6  }
0xf: {  	[smem:$0x3FB1] =	sst s7  }
0x10: {  	[smem:$0x3FB2] =	sst s8  }
0x11: {  	[smem:$0x3FB3] =	sst s9;
	s0 =	simm.s32 @!p0 $0x0  }
0x12: {  	s1 =	sld [smem:$0x3F99];
	s0 =	simm.s32 @p0 $0x1  }
0x13: {  	[smem:$0x3FB4] =	sst s0;
	s0 =	simm.s32 @!p1 $0x0  }
0x14: {  	s2 =	sld [smem:$0x3F98];
	s0 =	simm.s32 @p1 $0x1  }
0x15: {  	[smem:$0x3FB5] =	sst s0;
	s0 =	simm.s32 @!p2 $0x0  }
0x16: {  	s3 =	sld [smem:$0x3FDB];
	s0 =	simm.s32 @p2 $0x1  }
0x17: {  	s4 =	simm.s32 $0x1BF5;
	[smem:$0x3FB7] =	sst s0  }
0x18: {  	s0 =	sld [smem:$0x3F9A];
	_ =	swait.ge [sflag:s4], $0x0  }
0x19: {  	s7 =	sld [smem:$0x3F9B]  }
0x1a: {  	s8 =	sadd.s32 $0xFFFFE003, lr  }
0x1b: {  	s9 =	sadd.s32 $0xFFFFFEF7, lr;
	s5 =	simm.s32 $0xFFFFFFFF;
	p2 =	slt.u32 s8, $0xFFFFF086  }
0x1c: {  	p1 =	slt.u32 s9, $0xF7A;
	s5 =	simm.s32 @!p2 $0x0  }
0x1d: {  	s5 =	simm.s32 @p1 $0x1;
	p0 =	seq.s32 s7, s2  }
0x1e: {  	s7 =	smul.u32 @!p0 $0xF7A, s2;
	p2 =	seq.s32 @!p0 s5, $0x0  }
0x1f: {  	s9 =	smul.u32 $0xF7A, s1;
	s8 =	simm.s32 @!p0 $0x1BF5;
	p2 =	por !p2, p0  }
0x20: {  	[sflag:s8] =	ssyncset.s32 @!p0 $0xFFFFF086;
	s6 =	sadd.s32 @!p0 s3, s7;
	s7 =	simm.s32 @!p0 $0x108  }
0x21: {  	s3 =	sadd.s32 s3, s9;
	s6 =	sadd.s32 @!p0 $0x88, s6;
	s7 =	simm.s32 @p2 $0x1082  }
0x22: {  	[simem:s7], [sflag:s8] =	dma.local @!p0 [hbm:s6], $0xF7A  }
0x23: {  	s9 =	sor.u32 $0xD0000000, s2;
	s6 =	simm.s32 $0x108;
	_ =	swait.ge @!p0 [sflag:s8], $0x0  }
0x24: {  	s3 =	sadd.s32 $0x88, s3;
	s6 =	simm.s32 @!p1 $0x1082;
	[sflag:s4] =	ssyncset.s32 $0xFFFFF086  }
0x25: {  	[simem:s6], [sflag:s4] =	dma.local [hbm:s3], $0xF7A  }
0x26: {  	[smem:$0x3F9B] =	sst s1;
	(tag) =	ssettag s2;
	_ =	strace s9  }
0x27: {  	s1 =	sld [smem:$0x3FAB]  }
0x28: {  	s2 =	sld [smem:$0x3FAC]  }
0x29: {  	s4 =	sld [smem:$0x3FAE]  }
0x2a: {  	p0 =	seq.s32 s5, $0x0;
	s5 =	sld [smem:$0x3FAF]  }
0x2b: {  	s6 =	sld [smem:$0x3FB0]  }
0x2c: {  	s7 =	sld [smem:$0x3FB1]  }
0x2d: {  	s3 =	simm.s32 $0x108;
	s8 =	sld [smem:$0x3FB2]  }
0x2e: {  	s3 =	simm.s32 @!p0 $0x1082;
	s9 =	sld [smem:$0x3FB3]  }
0x2f: {  	lr =	sadd.s32 s0, s3;
	s0 =	sld [smem:$0x3FAA]  }
0x30: {  	s3 =	sld [smem:$0x3FAD]  }
0x31: {  	[smem:$0x3FB6] =	sst s10  }
0x32: {  	s10 =	sld [smem:$0x3FB4];
	_ =	sdelay $0x3  }
0x33: {  	p0 =	seq.s32 s10, $0x1;
	s10 =	sld [smem:$0x3FB6];
	_ =	sdelay $0x3  }
0x34: {  	[smem:$0x3FB6] =	sst s10  }
0x35: {  	s10 =	sld [smem:$0x3FB5];
	_ =	sdelay $0x3  }
0x36: {  	p1 =	seq.s32 s10, $0x1;
	s10 =	sld [smem:$0x3FB6];
	_ =	sdelay $0x3  }
0x37: {  	[smem:$0x3FB6] =	sst s10  }
0x38: {  	s10 =	sld [smem:$0x3FB7]  }
0x39: {  	_ = 	snop;
	(pc) =	sbr.ind lr, $3  }
0x3a: {  	_ = 	snop  }
0x3b: {  	_ = 	snop  }
0x3c: {  	p2 =	seq.s32 s10, $0x1;
	s10 =	sld [smem:$0x3FB6]  }
0x3d: {  	_ =	shalt  }
0x3e: {  	_ =	shalt  }
0x3f: {  	_ =	shalt  }
0x40: {  	_ =	shalt  }
0x41: {  	_ =	shalt  }
0x42: {  	_ =	shalt  }
0x43: {  	_ =	shalt  }
0x44: {  	_ =	shalt  }
0x45: {  	_ =	shalt  }
0x46: {  	_ =	shalt  }
0x47: {  	_ =	shalt  }
0x48: {  	_ =	shalt  }
0x49: {  	_ =	shalt  }
0x4a: {  	_ =	shalt  }
0x4b: {  	_ =	shalt  }
0x4c: {  	_ =	shalt  }
0x4d: {  	_ =	shalt  }
0x4e: {  	_ =	shalt  }
0x4f: {  	_ =	shalt  }
0x50: {  	_ =	shalt  }
0x51: {  	_ =	shalt  }
0x52: {  	_ =	shalt  }
0x53: {  	_ =	shalt  }
0x54: {  	_ =	shalt  }
0x55: {  	_ =	shalt  }
0x56: {  	_ =	shalt  }
0x57: {  	_ =	shalt  }
0x58: {  	_ =	shalt  }
0x59: {  	_ =	shalt  }
0x5a: {  	_ =	shalt  }
0x5b: {  	_ =	shalt  }
0x5c: {  	_ =	shalt  }
0x5d: {  	_ =	shalt  }
0x5e: {  	_ =	shalt  }
0x5f: {  	_ =	shalt  }
0x60: {  	_ =	shalt  }
0x61: {  	_ =	shalt  }
0x62: {  	_ =	shalt  }
0x63: {  	_ =	shalt  }
0x64: {  	_ =	shalt  }
0x65: {  	_ =	shalt  }
0x66: {  	_ =	shalt  }
0x67: {  	_ =	shalt  }
0x68: {  	_ =	shalt  }
0x69: {  	_ =	shalt  }
0x6a: {  	_ =	shalt  }
0x6b: {  	_ =	shalt  }
0x6c: {  	_ =	shalt  }
0x6d: {  	_ =	shalt  }
0x6e: {  	_ =	shalt  }
0x6f: {  	_ =	shalt  }
0x70: {  	_ =	shalt  }
0x71: {  	_ =	shalt  }
0x72: {  	_ =	shalt  }
0x73: {  	_ =	shalt  }
0x74: {  	_ =	shalt  }
0x75: {  	_ =	shalt  }
0x76: {  	_ =	shalt  }
0x77: {  	_ =	shalt  }
0x78: {  	_ =	shalt  }
0x79: {  	_ =	shalt  }
0x7a: {  	_ =	shalt  }
0x7b: {  	_ =	shalt  }
0x7c: {  	_ =	shalt  }
0x7d: {  	_ =	shalt  }
0x7e: {  	_ =	shalt  }
0x7f: {  	_ =	shalt  }
0x80: {  	_ =	shalt  }
0x81: {  	_ =	shalt  }
0x82: {  	_ =	shalt  }
0x83: {  	_ =	shalt  }
0x84: {  	_ =	shalt  }
0x85: {  	_ =	shalt  }
0x86: {  	_ =	shalt  }
0x87: {  	_ =	shalt  }
.Lfunc_end0:
.L_simem_size_0:
called_computation.1_lowered:
.L_overlay_start_0:
0x88: {  	s2 =	sld [smem:$0x3FD9]  }
0x89: {  	s3 =	sld [smem:$0x3FFE];
	_ =	sdelay $0x1  }
0x8a: {  	s1 =	srdreg.scid  }
0x8b: {  	s0 =	sand.u32 $0x1, s1  }
0x8c: {  	s17 =	sshll.u32 s0, $0xA;
	s2 =	sadd.s32 s3, s2  }
0x8d: {  	s2 =	sadd.s32 s2, s17  }
0x8e: {  	[smem:$0x3FC2] =	sst s2  }
0x8f: {  	_ = 	snop  }
0x90: {  	s2 =	sld [smem:$0x3FC8];
	(tm) =	ssettm $0x1  }
0x91: {  	s18 =	sld [smem:$0x3FFB];
	_ =	sdelay $0x3  }
0x92: {  	_ =	strace s18  }
0x93: {  	s3 =	sld [smem:$0x3FFC];
	_ =	sdelay $0x3  }
0x94: {  	_ =	strace s3  }
0x95: {  	s3 =	sld [smem:$0x3FFD];
	_ =	sdelay $0x3  }
0x96: {  	_ =	strace s3  }
0x97: {  	_ =	strace $0x8FFFFFFF  }
0x98: {  	s19 =	sld [smem:$0x3FDB];
	_ =	sdelay $0x1  }
0x99: {  	s4 =	simm.s32 $_scs_section_size  }
0x9a: {  	s5 =	simm.s32 $_size__tile_overlayer_lowered;
	s6 =	simm.s32 $_tile_overlayer_lowered  }
0x9b: {  	s22 =	simm.s32 $0x1BFF;
	s21 =	sshll.u32 s6, $0x1;
	s3 =	sadd.s32 s4, s19  }
0x9c: {  	s7 =	simm.s32 $0x0;
	s20 =	sshll.u32 s5, $0x1;
	s5 =	sadd.s32 s21, s3  }
0x9d: {  	[timem:s7], [sflag:s22] =	dma.local [hbm:s5], s20  }
0x9e: {  	_ =	swait.ge [sflag:s22], s20  }
0x9f: {  	s4 =	ssub.s32 $0x0, s20;
	[sflag:s22] =	ssyncset.done $0x0  }
0xa0: {  	[sflag:s22] =	ssyncadd.s32 s4;
	_ =	sdelay $0x1  }
0xa1: {  	s23 =	simm.s32 $0x1B8B  }
0xa2: {  	_ =	swait.ge [sflag:s23], $0x1  }
0xa3: {  	[sflag:s23] =	ssyncset.done $0x0  }
0xa4: {  	s25 =	simm.s32 $0x1B8E;
	s24 =	sld [smem:$0x3FFE];
	[sflag:s23] =	ssyncadd.s32 $0xFFFFFFFF  }
0xa5: {  	s26 =	simm.s32 $execute0_lowered;
	[smem:$0x3FD2] =	sst s25  }
0xa6: {  	s5 =	sshll.u32 s26, $0x1;
	_ =	strace $0x80000049;
	[dreg:$0x1] =	wrdreg $0xFFFFFFFF  }
0xa7: {  	s28 =	simm.s32 $_size_execute0_lowered;
	s3 =	sadd.s32 s3, s5;
	[dreg:$0x0] =	wrdreg $0x0  }
0xa8: {  	s5 =	sshll.u32 s28, $0x1;
	[dreg:$0x2] =	wrdreg s3  }
0xa9: {  	[dreg:$0x3] =	wrdreg s5  }
0xaa: {  	[dreg:$0x4] =	wrdreg $0xC0  }
0xab: {  	_ =	task [dreg:s7], $0x5FFFF  }
0xac: {  	[dreg:$0x1] =	wrdreg $0xFFFFFFFF  }
0xad: {  	[dreg:$0x0] =	wrdreg $0x60  }
0xae: {  	[dreg:$0x2] =	wrdreg s24  }
0xaf: {  	[dreg:$0x3] =	wrdreg s2  }
0xb0: {  	[dreg:$0x4] =	wrdreg $0x1EA000  }
0xb1: {  	[dreg:$0x5] =	wrdreg $0x9  }
0xb2: {  	_ =	task.clear_ibuf [dreg:s7], $0x6FFFF;
	_ =	strace $0x90000049  }
0xb3: {  	s29 =	simm.s32 $0x9;
	_ =	strace $0x8000004B  }
0xb4: {  	_ =	swait.ge [sflag:s29], $0x1  }
0xb5: {  	[sflag:s29] =	ssyncadd.s32 $0xFFFFFFFF  }
0xb6: {  	_ =	strace $0x9000004B  }
0xb7: {  	_ =	sfence  }
0xb8: {  	s30 =	sld [smem:$0x0];
	_ =	sdelay $0x2  }
0xb9: {  	s31 =	sshll.u32 s1, $0xD;
	s1 =	sshrl.u32 s1, $0x2  }
0xba: {  	s3 =	sand.u32 $0x4000, s31;
	s1 =	sadd.s32 s1, s30  }
0xbb: {  	s0 =	sor.u32 s3, s0;
	s1 =	sshll.u32 s1, $0x11  }
0xbc: {  	s0 =	sor.u32 s1, s0  }
0xbd: {  	s0 =	sadd.s32 $0x8F2B, s0  }
0xbe: {  	[sflag:s0] =	ssyncadd.remote.s32 $0x1  }
0xbf: {  	_ =	sfence.sel $0xFFFF  }
0xc0: {  	[dreg:$0x0] =	wrdreg $0xFFFFFFFF;
	(pc) =	sbr.abs _section_cstart, $3  }
0xc1: {  	[dreg:$0x1] =	wrdreg $0xFFFFFFFF  }
0xc2: {  	_ =	task.clear_ibuf [dreg:s7], $0x2FFFF;
	_ =	strace $0x9FFFFFFF  }
0xc3: {  	(tm) =	ssettm $0x7FFFFFFF  }
tec
execute0_lowered:
.L_overlay_start_1:
0x0: {  	(tag) =	ssettag $0x1  }
0x1: {  	s0 =	rddreg [dreg:$0x0]  }
0x2: {  	s1 =	rddreg [dreg:$0x1]  }
0x3: {  	s8 =	stileid.u32;
	s3 =	srdreg.scid  }
0x4: {  	s2 =	rddreg [dreg:$0x2];
	s15 =	simm.s32 $0x16;
	s17 =	simm.s32 $0x18800  }
0x5: {  	s20 =	simm.s32 $0x1ACC0;
	s21 =	simm.s32 $0x4;
	s22 =	simm.s32 $0x2  }
0x6: {  	s23 =	simm.s32 $0x1;
	s4 =	smul.u32 $0xC40, s8;
	s5 =	sand.u32 $0x1, s3  }
0x7: {  	s24 =	simm.s32 $0x80;
	s3 =	simm.s32 $0x0;
	s10 =	smul.u32 $0xC400, s5  }
0x8: {  	[smem:$0x7FF] =	sst s3;
	s6 =	sshll.u32 s5, $0x4;
	s5 =	ssub.s32 $0x2, s5  }
0x9: {  	_ =	strace $0x8000004A;
	s6 =	sor.u32 s8, s6;
	s25 =	sshrl.u32 s4, $0x3  }
0xa: {  	s12 =	sshrl.u32 s5, $0x1;
	s7 =	sadd.s32 s4, s10;
	s26 =	smul.u32 $0x6200, s6  }
0xb: {  	s8 =	sadd.s32 s25, s0;
	p0 =	seq.s32 s6, $0x1F;
	s5 =	ssub.s32 s5, s12  }
0xc: {  	s30 =	sshrl.u32 s10, $0x3;
	s25 =	simm.s32 $0x3;
	s9 =	sshrl.u32 s7, $0x3  }
0xd: {  	s15 =	simm.s32 @!p0 $0x0;
	s29 =	sadd.s32 $0x2000, s8;
	s6 =	sadd.s32 $0x3880, s8  }
0xe: {  	s12 =	smax.u32 s5, $0x1;
	s11 =	sadd.s32 s9, s0;
	s0 =	sadd.s32 $0x6C00, s0  }
0xf: {  	s7 =	smin.u32 s26, $0xBD300;
	[dreg:$0x5] =	wrdreg s29;
	s31 =	sshll.u32 s15, $0x7  }
0x10: {  	s13 =	sshll.u32 s15, $0xA;
	s15 =	ssub.s32 $0xC4, s15;
	s26 =	simm.s32 $0x0  }
0x11: {  	s28 =	sshrl.u32 s7, $0x2;
	s7 =	sadd.s32 $0x5200, s8;
	s8 =	sadd.s32 s4, s2  }
0x12: {  	s9 =	sadd.s32 s0, s9;
	s10 =	sadd.s32 s0, s30;
	s1 =	sadd.s32 s1, s28  }
0x13: {  	v0 =	vimm.f32 $0.0e+00;
	s11 =	sadd.s32 $0x9E00, s11;
	s14 =	sadd.s32 $0x18800, s31;
	[dreg:$0x4] =	wrdreg s1  }
.LBB2_1:
0x14: {  	s0 =	rddreg [dreg:$0x4];
	s1 =	simm.s32 $0xC400  }
0x15: {  	[tilespmem:s1], [sflag:$0x1] =	stream.linear.gather [hbm4b:s0+s3], $0xC400, $0x38;
	[tilespmem:$0x1F640] =	vst v63  }
0x16: {  	s29 =	rddreg [dreg:$0x5]  }
0x17: {  	[tilespmem:s17], [sflag:$0x2] =	stream.linear.gather [hbm4b:s29+s3], $0xC40, $0x38;
	[tilespmem:$0x1F640] =	vst v63  }
0x18: {  	s30 =	simm.s32 $0x19440  }
0x19: {  	[tilespmem:s30], [sflag:$0x2] =	stream.linear.gather [hbm4b:s6+s3], $0xC40, $0x38;
	[tilespmem:$0x1F640] =	vst v63  }
0x1a: {  	s31 =	simm.s32 $0x1A080;
	s0 =	simm.s32 $0x40;
	s1 =	simm.s32 $0x0  }
0x1b: {  	[tilespmem:s31], [sflag:$0x2] =	stream.linear.gather [hbm4b:s7+s3], $0xC40, $0x38;
	[tilespmem:$0x1F640] =	vst v63  }
.LBB2_2:
0x1c: {  	p0 =	sne.s32 s0, $0x30C0;
	[tilespmem:s1+$0x1ACC0] =	vst v0;
	s1 =	smov.u32 s0;
	s0 =	sadd.s32 $0x40, s0  }
.Ltmp0:
0x1d: {  	(pc) =	sbr.rel @p0 .LBB2_2-.Ltmp0, $2  }
0x1e: {  	_ =	sdelay $0x2  }
0x1f: {  	s1 =	sshra.s32 s1, $0x2  }
0x20: {  	[tilespmem:s1+$0x1ACC0] =	vst v0  }
0x21: {  	[spmem:s8] =	stream.linear.scatter [tilespmem:s20], [sflag:$0x4], $0xC40, $0x38;
	[tilespmem:$0x1F640] =	vst v63  }
0x22: {  	_ =	swait.ge [sflag:s21], $0xC40  }
0x23: {  	[sflag:s21] =	ssyncset.done $0x0  }
0x24: {  	[sflag:s21] =	ssyncadd.s32 $0xFFFFF3C0  }
0x25: {  	_ =	swait.ge [sflag:s22], $0xC40  }
0x26: {  	[sflag:s22] =	ssyncset.done $0x0  }
0x27: {  	[sflag:s22] =	ssyncadd.s32 $0xFFFFF3C0  }
0x28: {  	_ =	swait.ge [sflag:s22], $0xC40  }
0x29: {  	[sflag:s22] =	ssyncset.done $0x0  }
0x2a: {  	[sflag:s22] =	ssyncadd.s32 $0xFFFFF3C0  }
0x2b: {  	_ =	swait.ge [sflag:s22], $0xC40  }
0x2c: {  	[sflag:s22] =	ssyncset.done $0x0  }
0x2d: {  	s31 =	simm.s32 $0x18800;
	[sflag:s22] =	ssyncadd.s32 $0xFFFFF3C0  }
0x2e: {  	v1 =	vld [tilespmem:s31+$0x0]  }
0x2f: {  	v2 =	vld [tilespmem:s31+$0xC40];
	_ =	sdelay $0x4  }
0x30: {  	v1 =	vadd.f32 v2, v1  }
0x31: {  	s30 =	simm.s32 $0x18810  }
0x32: {  	v3 =	vld [tilespmem:s30+$0xC40];
	v1 =	vadd.f32 $1.000000000e+00, v1  }
0x33: {  	v2 =	vld [tilespmem:s30+$0x0]  }
0x34: {  	v4 =	vshra.s32 v1, $0x1;
	v5 =	vmul.f32 $5.000000000e-01, v1  }
0x35: {  	v1 =	vsub.s32 $0x5F3759DF, v4  }
0x36: {  	v4 =	vmul.f32 v1, v5;
	_ =	sdelay $0x1  }
0x37: {  	s29 =	simm.s32 $0x18820;
	v2 =	vadd.f32 v3, v2;
	v3 =	vmul.f32 v1, v4  }
0x38: {  	v6 =	vld [tilespmem:s29+$0xC40]  }
0x39: {  	v2 =	vadd.f32 $1.000000000e+00, v2;
	v4 =	vld [tilespmem:s29+$0x0];
	v3 =	vsub.f32 $1.500000000e+00, v3;
	_ =	sdelay $0x1  }
0x3a: {  	v7 =	vshra.s32 v2, $0x1;
	v2 =	vmul.f32 $5.000000000e-01, v2;
	v3 =	vmul.f32 v1, v3  }
0x3b: {  	v7 =	vsub.s32 $0x5F3759DF, v7  }
0x3c: {  	v1 =	vmul.f32 v7, v2;
	v8 =	vmul.f32 v3, v5  }
0x3d: {  	v4 =	vadd.f32 v6, v4  }
0x3e: {  	s28 =	simm.s32 $0x18830;
	v1 =	vmul.f32 v7, v1;
	v6 =	vmul.f32 v8, v3  }
0x3f: {  	v10 =	vld [tilespmem:s28+$0xC40];
	v4 =	vadd.f32 $1.000000000e+00, v4  }
0x40: {  	v8 =	vld [tilespmem:s28+$0x0];
	v9 =	vsub.f32 $1.500000000e+00, v1;
	v6 =	vsub.f32 $1.500000000e+00, v6  }
0x41: {  	v11 =	vshra.s32 v4, $0x1;
	v1 =	vmul.f32 $5.000000000e-01, v4  }
0x42: {  	v4 =	vmul.f32 v7, v9;
	v9 =	vsub.s32 $0x5F3759DF, v11;
	v3 =	vmul.f32 v6, v3  }
0x43: {  	v6 =	vmul.f32 v9, v1  }
0x44: {  	s0 =	simm.s32 $0x0;
	v7 =	vmul.f32 v4, v2;
	v5 =	vmul.f32 v3, v5  }
0x45: {  	s0 =	sand.u32 $0xFF0, s0;
	v8 =	vadd.f32 v10, v8;
	v6 =	vmul.f32 v9, v6  }
0x46: {  	s19 =	simm.s32 $0x18840;
	v10 =	vmul.f32 v7, v4;
	v7 =	vld [tilespmem:s0+$0x1A080];
	v11 =	vmul.f32 v5, v3  }
0x47: {  	v13 =	vadd.f32 $1.000000000e+00, v8;
	v8 =	vld [tilespmem:s19+$0xC40];
	v14 =	vsub.f32 $1.500000000e+00, v6  }
0x48: {  	s4 =	simm.s32 $0x10;
	s18 =	simm.s32 $0x20;
	s16 =	simm.s32 $0x30;
	v5 =	vld [tilespmem:s19+$0x0];
	v10 =	vsub.f32 $1.500000000e+00, v10;
	v11 =	vsub.f32 $1.500000000e+00, v11  }
0x49: {  	s5 =	simm.s32 $0x50;
	s1 =	simm.s32 $0x18840;
	s0 =	simm.s32 $0x40;
	v12 =	vshra.s32 v13, $0x1;
	v6 =	vmul.f32 $5.000000000e-01, v13;
	v9 =	vmul.f32 v9, v14  }
.LBB2_4:
0x4a: {  	p0 =	sne.s32 s5, $0xC30;
	v13 =	vsub.s32 $0x5F3759DF, v12;
	v11 =	vmul.f32 v11, v3;
	v3 =	vmul.f32 v10, v4  }
0x4b: {  	v10 =	vmul.f32 v13, v6;
	v12 =	vmul.f32 v9, v1;
	v4 =	vmov v9  }
0x4c: {  	v9 =	vmul.f32 v3, v2;
	v7 =	vmul.f32 v11, v7;
	v2 =	vmovc v1;
	v1 =	vmov v6  }
.Ltmp1:
0x4d: {  	s19 =	sadd.s32 $0x10, s19;
	v6 =	vadd.f32 v8, v5;
	v8 =	vmul.f32 v13, v10;
	(pc) =	sbr.rel @p0 .LBB2_4-.Ltmp1, $4  }
0x4e: {  	s4 =	sand.u32 $0xFF0, s4;
	v10 =	vmul.f32 v12, v4;
	v5 =	vld [tilespmem:s19+$0x0];
	v9 =	vmul.f32 v9, v3;
	[tilespmem:s31+$0x24C0] =	vst v7;
	s31 =	smov.u32 s30;
	s30 =	smov.u32 s29  }
0x4f: {  	s29 =	smov.u32 s28;
	s28 =	smov.u32 s1;
	s1 =	smov.u32 s19;
	v6 =	vadd.f32 $1.000000000e+00, v6;
	v14 =	vsub.f32 $1.500000000e+00, v8;
	v7 =	vld [tilespmem:s4+$0x1A080]  }
0x50: {  	v10 =	vsub.f32 $1.500000000e+00, v10;
	s4 =	smov.u32 s18;
	s18 =	smov.u32 s16;
	s16 =	smov.u32 s0;
	v8 =	vld [tilespmem:s19+$0xC40];
	v11 =	vsub.f32 $1.500000000e+00, v9  }
0x51: {  	s0 =	smov.u32 s5;
	s5 =	sadd.s32 $0x10, s5;
	v12 =	vshra.s32 v6, $0x1;
	v6 =	vmul.f32 $5.000000000e-01, v6;
	v9 =	vmul.f32 v13, v14  }
0x52: {  	v12 =	vsub.s32 $0x5F3759DF, v12;
	v4 =	vmul.f32 v10, v4;
	v3 =	vmul.f32 v11, v3  }
0x53: {  	v49 =	vmul.f32 v12, v6;
	v50 =	vmul.f32 v9, v1  }
0x54: {  	v2 =	vmul.f32 v4, v2;
	v3 =	vmul.f32 v3, v7  }
0x55: {  	v5 =	vadd.f32 v8, v5;
	v51 =	vmul.f32 v12, v49  }
0x56: {  	s4 =	sand.u32 $0xFF0, s4;
	v52 =	vmul.f32 v50, v9;
	v2 =	vmul.f32 v2, v4;
	[tilespmem:s31+$0x24C0] =	vst v3  }
0x57: {  	v3 =	vadd.f32 $1.000000000e+00, v5;
	v53 =	vsub.f32 $1.500000000e+00, v51;
	v54 =	vld [tilespmem:s4+$0x1A080]  }
0x58: {  	v8 =	vsub.f32 $1.500000000e+00, v52;
	v2 =	vsub.f32 $1.500000000e+00, v2  }
0x59: {  	v55 =	vshra.s32 v3, $0x1;
	v3 =	vmul.f32 $5.000000000e-01, v3;
	v5 =	vmul.f32 v12, v53  }
0x5a: {  	v8 =	vmul.f32 v8, v9;
	v10 =	vsub.s32 $0x5F3759DF, v55;
	v2 =	vmul.f32 v2, v4  }
0x5b: {  	v56 =	vmul.f32 v10, v3;
	v57 =	vmul.f32 v5, v6  }
0x5c: {  	v1 =	vmul.f32 v8, v1;
	v2 =	vmul.f32 v2, v54  }
0x5d: {  	v4 =	vmul.f32 v10, v56  }
0x5e: {  	s19 =	sand.u32 $0xFF0, s18;
	v58 =	vmul.f32 v57, v5;
	v1 =	vmul.f32 v1, v8;
	[tilespmem:s30+$0x24C0] =	vst v2  }
0x5f: {  	v2 =	vsub.f32 $1.500000000e+00, v4;
	v59 =	vld [tilespmem:s19+$0x1A080]  }
0x60: {  	v7 =	vsub.f32 $1.500000000e+00, v58;
	v1 =	vsub.f32 $1.500000000e+00, v1  }
0x61: {  	v2 =	vmul.f32 v10, v2  }
0x62: {  	v5 =	vmul.f32 v7, v5;
	v1 =	vmul.f32 v1, v8  }
0x63: {  	v60 =	vmul.f32 v2, v3  }
0x64: {  	v61 =	vmul.f32 v5, v6;
	v1 =	vmul.f32 v1, v59;
	_ =	sdelay $0x1  }
0x65: {  	s31 =	sand.u32 $0xFF0, s16;
	v62 =	vmul.f32 v60, v2;
	v6 =	vmul.f32 v61, v5;
	[tilespmem:s29+$0x24C0] =	vst v1  }
0x66: {  	v1 =	vld [tilespmem:s31+$0x1A080]  }
0x67: {  	v4 =	vsub.f32 $1.500000000e+00, v62;
	v6 =	vsub.f32 $1.500000000e+00, v6;
	_ =	sdelay $0x1  }
0x68: {  	v2 =	vmul.f32 v4, v2;
	v63 =	vmul.f32 v6, v5;
	_ =	sdelay $0x1  }
0x69: {  	v3 =	vmul.f32 v2, v3;
	v1 =	vmul.f32 v63, v1;
	_ =	sdelay $0x1  }
0x6a: {  	s0 =	sand.u32 $0xFF0, s0;
	v3 =	vmul.f32 v3, v2;
	[tilespmem:s28+$0x24C0] =	vst v1  }
0x6b: {  	v1 =	vld [tilespmem:s0+$0x1A080]  }
0x6c: {  	v3 =	vsub.f32 $1.500000000e+00, v3;
	_ =	sdelay $0x1  }
0x6d: {  	v2 =	vmul.f32 v3, v2;
	_ =	sdelay $0x1  }
0x6e: {  	v1 =	vmul.f32 v2, v1;
	_ =	sdelay $0x1  }
0x6f: {  	[tilespmem:s1+$0x24C0] =	vst v1  }
0x70: {  	[hbm4b:s9+s3] =	stream.linear.scatter [tilespmem:s20], [sflag:$0x4], $0xC40, $0x38;
	[tilespmem:$0x1F640] =	vst v63  }
0x71: {  	_ =	swait.ge [sflag:s21], $0xC40  }
0x72: {  	[sflag:s21] =	ssyncset.done $0x0  }
0x73: {  	[sflag:s21] =	ssyncadd.s32 $0xFFFFF3C0  }
0x74: {  	[bflag:$0x0] =	sbarrier.arrive $0xFFFF  }
0x75: {  	[tilespmem:s3], [sflag:$0x4] =	stream.linear.gather [hbm4b:s10+s3], $0xC400, $0x38;
	[tilespmem:$0x1F640] =	vst v63  }
0x76: {  	_ =	swait.ge [sflag:s21], $0xC400  }
0x77: {  	[sflag:s21] =	ssyncset.done $0x0  }
0x78: {  	[sflag:s21] =	ssyncadd.s32 $0xFFFF3C00  }
0x79: {  	_ =	swait.ge [sflag:s23], $0xC400  }
0x7a: {  	[sflag:s23] =	ssyncset.done $0x0  }
0x7b: {  	s0 =	smov.u32 s14;
	s1 =	smov.u32 s13;
	[sflag:s23] =	ssyncadd.s32 $0xFFFF3C00  }
.LBB2_6:
0x7c: {  	s4 =	sshra.s32 s1, $0x2  }
0x7d: {  	v1 =	vld [tilespmem:s4+$0xC400];
	_ =	sdelay $0x7  }
0x7e: {  	v1 =	vld.idx.msk [tilespmem:v1+s3+$0x0], $0xffff;
	_ =	sdelay $0x4  }
0x7f: {  	[tilespmem:s0+$0x0] =	vst v1  }
0x80: {  	v1 =	vld [tilespmem:s4+$0xC410];
	_ =	sdelay $0x7  }
0x81: {  	v1 =	vld.idx.msk [tilespmem:v1+s3+$0x0], $0xffff;
	_ =	sdelay $0x4  }
0x82: {  	[tilespmem:s0+$0x10] =	vst v1  }
0x83: {  	v1 =	vld [tilespmem:s4+$0xC420];
	_ =	sdelay $0x7  }
0x84: {  	v1 =	vld.idx.msk [tilespmem:v1+s3+$0x0], $0xffff;
	_ =	sdelay $0x4  }
0x85: {  	[tilespmem:s0+$0x20] =	vst v1  }
0x86: {  	v1 =	vld [tilespmem:s4+$0xC430];
	_ =	sdelay $0x7  }
0x87: {  	v1 =	vld.idx.msk [tilespmem:v1+s3+$0x0], $0xffff;
	_ =	sdelay $0x4  }
0x88: {  	[tilespmem:s0+$0x30] =	vst v1  }
0x89: {  	v1 =	vld [tilespmem:s4+$0xC440];
	_ =	sdelay $0x7  }
0x8a: {  	v1 =	vld.idx.msk [tilespmem:v1+s3+$0x0], $0xffff;
	_ =	sdelay $0x4  }
0x8b: {  	[tilespmem:s0+$0x40] =	vst v1  }
0x8c: {  	v1 =	vld [tilespmem:s4+$0xC450];
	_ =	sdelay $0x7  }
0x8d: {  	v1 =	vld.idx.msk [tilespmem:v1+s3+$0x0], $0xffff;
	_ =	sdelay $0x4  }
0x8e: {  	[tilespmem:s0+$0x50] =	vst v1  }
0x8f: {  	v1 =	vld [tilespmem:s4+$0xC460];
	_ =	sdelay $0x7  }
0x90: {  	v1 =	vld.idx.msk [tilespmem:v1+s3+$0x0], $0xffff;
	_ =	sdelay $0x4  }
0x91: {  	[tilespmem:s0+$0x60] =	vst v1  }
0x92: {  	v1 =	vld [tilespmem:s4+$0xC470];
	_ =	sdelay $0x7  }
0x93: {  	v1 =	vld.idx.msk [tilespmem:v1+s3+$0x0], $0xffff;
	_ =	sdelay $0x1  }
0x94: {  	p0 =	sne.s32 s1, $0x30C00  }
.Ltmp2:
0x95: {  	_ = 	snop;
	(pc) =	sbr.rel @p0 .LBB2_6-.Ltmp2, $4  }
0x96: {  	_ = 	snop  }
0x97: {  	s4 =	sadd.s32 $0xC480, s4;
	[tilespmem:s0+$0x70] =	vst v1  }
0x98: {  	[spmem:s2] =	stream.indirect.scatter.add.f32 [tilespmem:s0], [sflag:$0x3], $0x1, s4, s24, $0xb8;
	[tilespmem:$0x1F640] =	vst v63  }
0x99: {  	s1 =	sadd.s32 $0x400, s1;
	s0 =	sadd.s32 $0x80, s0  }
0x9a: {  	p0 =	sne.s32 s15, $0x1  }
.Ltmp3:
0x9b: {  	_ = 	snop;
	(pc) =	sbr.rel @!p0 .LBB2_9-.Ltmp3, $3  }
0x9c: {  	_ =	sdelay $0x1  }
0x9d: {  	_ =	swait.ge [sflag:s25], $0x80  }
0x9e: {  	s0 =	sadd.s32 $0xFFFFFFFF, s15;
	[sflag:s25] =	ssyncset.done $0x0  }
.LBB2_8:
0x9f: {  	p0 =	sne.s32 s0, $0x1;
	s0 =	sadd.s32 $0xFFFFFFFF, s0;
	[sflag:s25] =	ssyncadd.s32 $0xFFFFFF80  }
.Ltmp4:
0xa0: {  	(pc) =	sbr.rel @p0 .LBB2_8-.Ltmp4, $3  }
0xa1: {  	_ =	sdelay $0x1  }
0xa2: {  	_ =	swait.ge [sflag:s25], $0x80  }
0xa3: {  	[sflag:s25] =	ssyncset.done $0x0  }
.LBB2_9:
0xa4: {  	[sflag:s25] =	ssyncadd.s32 $0xFFFFFF80  }
0xa5: {  	[bflag:$0x0] =	sbarrier.arrive $0xFFFF  }
0xa6: {  	[tilespmem:s17], [sflag:$0x4] =	stream.linear.gather [spmem:s8], $0xC40, $0x38;
	[tilespmem:$0x1F640] =	vst v63  }
0xa7: {  	s26 =	sadd.s32 $0x1, s26;
	_ =	swait.ge [sflag:s21], $0xC40  }
0xa8: {  	p0 =	sne.s32 s26, s12;
	[sflag:s21] =	ssyncset.done $0x0  }
.Ltmp5:
0xa9: {  	[sflag:s21] =	ssyncadd.s32 $0xFFFFF3C0;
	(pc) =	sbr.rel @p0 .LBB2_1-.Ltmp5, $4  }
0xaa: {  	[hbm4b:s11+s3] =	stream.linear.scatter [tilespmem:s17], [sflag:$0x4], $0xC40, $0x38;
	[tilespmem:$0x1F640] =	vst v63  }
0xab: {  	_ =	swait.ge [sflag:s21], $0xC40  }
0xac: {  	[sflag:s21] =	ssyncset.done $0x0  }
0xad: {  	[sflag:s21] =	ssyncadd.s32 $0xFFFFF3C0  }
0xae: {  	_ =	sfence.sel $0x180000  }
0xaf: {  	[bflag:$0x0] =	sbarrier.arrive $0xFFFF  }
0xb0: {  	_ =	strace $0x9000004A  }
0xb1: {  	s0 =	stileid.u32;
	[bflag:$0x2] =	sbarrier.arrive $0xFFFF  }
0xb2: {  	p0 =	sne.s32 s0, $0x0;
	s0 =	rddreg [dreg:$0x3]  }
0xb3: {  	s0 =	sadd.s32 @!p0 $0x100000, s0  }
0xb4: {  	[sflag:s0] =	ssyncadd.tile.s32 @!p0 $0x1;
	_ =	shalt  }
.Lfunc_end2:
_tile_overlayer_lowered:
.L_overlay_start_2:
0xb5: {  	(tag) =	ssettag $0x2  }
0xb6: {  	s0 =	rddreg [dreg:$0x0];
	s2 =	stileid.u32  }
0xb7: {  	s1 =	rddreg [dreg:$0x1];
	p0 =	sne.s32 s2, $0x0  }
0xb8: {  	s3 =	rddreg [dreg:$0x2];
	[bflag:$0x3] =	sbarrier.arrive $0xFFFF;
	s2 =	simm.s32 @!p0 $0x1C04  }
0xb9: {  	[timem:s3], [sflag:s2] =	dma.local @!p0 [hbm:s0], s1  }
0xba: {  	s0 =	simm.s32 @!p0 $0x4  }
0xbb: {  	_ =	swait.ge @!p0 [sflag:s0], s1  }
0xbc: {  	s1 =	ssub.s32 @!p0 $0x0, s1;
	[sflag:s0] =	ssyncset.done @!p0 $0x0  }
0xbd: {  	[sflag:s0] =	ssyncadd.s32 @!p0 s1  }
0xbe: {  	[bflag:$0x3] =	sbarrier.arrive $0xFFFF  }
0xbf: {  	_ =	shalt  }

// kernel: kernel.13.cloned.1.call-start
scs
__scs_entry_jumppad:
0x0: {  	(pc) =	sbr.rel $0x88, $3  }
0x1: {  	(tag) =	ssettag $0x0;
	lr =	simm.s32 $0x1  }
0x2: {  	[smem:$0x3F9B] =	sst lr;
	_ =	strace $0xD0000000  }
0x3: {  	_ = 	snop  }
0x4: {  	_ = 	snop  }
0x5: {  	_ = 	snop  }
0x6: {  	_ = 	snop  }
0x7: {  	_ = 	snop  }
__scs_overlays_trampoline_lowered:
0x8: {  	[smem:$0x3FAA] =	sst s0  }
0x9: {  	[smem:$0x3FAB] =	sst s1  }
0xa: {  	[smem:$0x3FAC] =	sst s2  }
0xb: {  	[smem:$0x3FAD] =	sst s3  }
0xc: {  	[smem:$0x3FAE] =	sst s4  }
0xd: {  	[smem:$0x3FAF] =	sst s5  }
0xe: {  	[smem:$0x3FB0] =	sst s6  }
0xf: {  	[smem:$0x3FB1] =	sst s7  }
0x10: {  	[smem:$0x3FB2] =	sst s8  }
0x11: {  	[smem:$0x3FB3] =	sst s9;
	s0 =	simm.s32 @!p0 $0x0  }
0x12: {  	s1 =	sld [smem:$0x3F99];
	s0 =	simm.s32 @p0 $0x1  }
0x13: {  	[smem:$0x3FB4] =	sst s0;
	s0 =	simm.s32 @!p1 $0x0  }
0x14: {  	s2 =	sld [smem:$0x3F98];
	s0 =	simm.s32 @p1 $0x1  }
0x15: {  	[smem:$0x3FB5] =	sst s0;
	s0 =	simm.s32 @!p2 $0x0  }
0x16: {  	s3 =	sld [smem:$0x3FDB];
	s0 =	simm.s32 @p2 $0x1  }
0x17: {  	s4 =	simm.s32 $0x1BF5;
	[smem:$0x3FB7] =	sst s0  }
0x18: {  	s0 =	sld [smem:$0x3F9A];
	_ =	swait.ge [sflag:s4], $0x0  }
0x19: {  	s7 =	sld [smem:$0x3F9B]  }
0x1a: {  	s8 =	sadd.s32 $0xFFFFE003, lr  }
0x1b: {  	s9 =	sadd.s32 $0xFFFFFEF7, lr;
	s5 =	simm.s32 $0xFFFFFFFF;
	p2 =	slt.u32 s8, $0xFFFFF086  }
0x1c: {  	p1 =	slt.u32 s9, $0xF7A;
	s5 =	simm.s32 @!p2 $0x0  }
0x1d: {  	s5 =	simm.s32 @p1 $0x1;
	p0 =	seq.s32 s7, s2  }
0x1e: {  	s7 =	smul.u32 @!p0 $0xF7A, s2;
	p2 =	seq.s32 @!p0 s5, $0x0  }
0x1f: {  	s9 =	smul.u32 $0xF7A, s1;
	s8 =	simm.s32 @!p0 $0x1BF5;
	p2 =	por !p2, p0  }
0x20: {  	[sflag:s8] =	ssyncset.s32 @!p0 $0xFFFFF086;
	s6 =	sadd.s32 @!p0 s3, s7;
	s7 =	simm.s32 @!p0 $0x108  }
0x21: {  	s3 =	sadd.s32 s3, s9;
	s6 =	sadd.s32 @!p0 $0x88, s6;
	s7 =	simm.s32 @p2 $0x1082  }
0x22: {  	[simem:s7], [sflag:s8] =	dma.local @!p0 [hbm:s6], $0xF7A  }
0x23: {  	s9 =	sor.u32 $0xD0000000, s2;
	s6 =	simm.s32 $0x108;
	_ =	swait.ge @!p0 [sflag:s8], $0x0  }
0x24: {  	s3 =	sadd.s32 $0x88, s3;
	s6 =	simm.s32 @!p1 $0x1082;
	[sflag:s4] =	ssyncset.s32 $0xFFFFF086  }
0x25: {  	[simem:s6], [sflag:s4] =	dma.local [hbm:s3], $0xF7A  }
0x26: {  	[smem:$0x3F9B] =	sst s1;
	(tag) =	ssettag s2;
	_ =	strace s9  }
0x27: {  	s1 =	sld [smem:$0x3FAB]  }
0x28: {  	s2 =	sld [smem:$0x3FAC]  }
0x29: {  	s4 =	sld [smem:$0x3FAE]  }
0x2a: {  	p0 =	seq.s32 s5, $0x0;
	s5 =	sld [smem:$0x3FAF]  }
0x2b: {  	s6 =	sld [smem:$0x3FB0]  }
0x2c: {  	s7 =	sld [smem:$0x3FB1]  }
0x2d: {  	s3 =	simm.s32 $0x108;
	s8 =	sld [smem:$0x3FB2]  }
0x2e: {  	s3 =	simm.s32 @!p0 $0x1082;
	s9 =	sld [smem:$0x3FB3]  }
0x2f: {  	lr =	sadd.s32 s0, s3;
	s0 =	sld [smem:$0x3FAA]  }
0x30: {  	s3 =	sld [smem:$0x3FAD]  }
0x31: {  	[smem:$0x3FB6] =	sst s10  }
0x32: {  	s10 =	sld [smem:$0x3FB4];
	_ =	sdelay $0x3  }
0x33: {  	p0 =	seq.s32 s10, $0x1;
	s10 =	sld [smem:$0x3FB6];
	_ =	sdelay $0x3  }
0x34: {  	[smem:$0x3FB6] =	sst s10  }
0x35: {  	s10 =	sld [smem:$0x3FB5];
	_ =	sdelay $0x3  }
0x36: {  	p1 =	seq.s32 s10, $0x1;
	s10 =	sld [smem:$0x3FB6];
	_ =	sdelay $0x3  }
0x37: {  	[smem:$0x3FB6] =	sst s10  }
0x38: {  	s10 =	sld [smem:$0x3FB7]  }
0x39: {  	_ = 	snop;
	(pc) =	sbr.ind lr, $3  }
0x3a: {  	_ = 	snop  }
0x3b: {  	_ = 	snop  }
0x3c: {  	p2 =	seq.s32 s10, $0x1;
	s10 =	sld [smem:$0x3FB6]  }
0x3d: {  	_ =	shalt  }
0x3e: {  	_ =	shalt  }
0x3f: {  	_ =	shalt  }
0x40: {  	_ =	shalt  }
0x41: {  	_ =	shalt  }
0x42: {  	_ =	shalt  }
0x43: {  	_ =	shalt  }
0x44: {  	_ =	shalt  }
0x45: {  	_ =	shalt  }
0x46: {  	_ =	shalt  }
0x47: {  	_ =	shalt  }
0x48: {  	_ =	shalt  }
0x49: {  	_ =	shalt  }
0x4a: {  	_ =	shalt  }
0x4b: {  	_ =	shalt  }
0x4c: {  	_ =	shalt  }
0x4d: {  	_ =	shalt  }
0x4e: {  	_ =	shalt  }
0x4f: {  	_ =	shalt  }
0x50: {  	_ =	shalt  }
0x51: {  	_ =	shalt  }
0x52: {  	_ =	shalt  }
0x53: {  	_ =	shalt  }
0x54: {  	_ =	shalt  }
0x55: {  	_ =	shalt  }
0x56: {  	_ =	shalt  }
0x57: {  	_ =	shalt  }
0x58: {  	_ =	shalt  }
0x59: {  	_ =	shalt  }
0x5a: {  	_ =	shalt  }
0x5b: {  	_ =	shalt  }
0x5c: {  	_ =	shalt  }
0x5d: {  	_ =	shalt  }
0x5e: {  	_ =	shalt  }
0x5f: {  	_ =	shalt  }
0x60: {  	_ =	shalt  }
0x61: {  	_ =	shalt  }
0x62: {  	_ =	shalt  }
0x63: {  	_ =	shalt  }
0x64: {  	_ =	shalt  }
0x65: {  	_ =	shalt  }
0x66: {  	_ =	shalt  }
0x67: {  	_ =	shalt  }
0x68: {  	_ =	shalt  }
0x69: {  	_ =	shalt  }
0x6a: {  	_ =	shalt  }
0x6b: {  	_ =	shalt  }
0x6c: {  	_ =	shalt  }
0x6d: {  	_ =	shalt  }
0x6e: {  	_ =	shalt  }
0x6f: {  	_ =	shalt  }
0x70: {  	_ =	shalt  }
0x71: {  	_ =	shalt  }
0x72: {  	_ =	shalt  }
0x73: {  	_ =	shalt  }
0x74: {  	_ =	shalt  }
0x75: {  	_ =	shalt  }
0x76: {  	_ =	shalt  }
0x77: {  	_ =	shalt  }
0x78: {  	_ =	shalt  }
0x79: {  	_ =	shalt  }
0x7a: {  	_ =	shalt  }
0x7b: {  	_ =	shalt  }
0x7c: {  	_ =	shalt  }
0x7d: {  	_ =	shalt  }
0x7e: {  	_ =	shalt  }
0x7f: {  	_ =	shalt  }
0x80: {  	_ =	shalt  }
0x81: {  	_ =	shalt  }
0x82: {  	_ =	shalt  }
0x83: {  	_ =	shalt  }
0x84: {  	_ =	shalt  }
0x85: {  	_ =	shalt  }
0x86: {  	_ =	shalt  }
0x87: {  	_ =	shalt  }
.Lfunc_end0:
.L_simem_size_0:
called_computation.2_lowered:
.L_overlay_start_0:
0x88: {  	s2 =	sld [smem:$0x3FD9]  }
0x89: {  	s3 =	sld [smem:$0x3FFE];
	_ =	sdelay $0x1  }
0x8a: {  	s1 =	srdreg.scid  }
0x8b: {  	s0 =	sand.u32 $0x1, s1  }
0x8c: {  	s17 =	sshll.u32 s0, $0xA;
	s2 =	sadd.s32 s3, s2  }
0x8d: {  	s2 =	sadd.s32 s2, s17  }
0x8e: {  	[smem:$0x3FC2] =	sst s2  }
0x8f: {  	_ = 	snop  }
0x90: {  	s2 =	sld [smem:$0x3FC8];
	(tm) =	ssettm $0x1  }
0x91: {  	s18 =	sld [smem:$0x3FFB];
	_ =	sdelay $0x3  }
0x92: {  	_ =	strace s18  }
0x93: {  	s3 =	sld [smem:$0x3FFC];
	_ =	sdelay $0x3  }
0x94: {  	_ =	strace s3  }
0x95: {  	s3 =	sld [smem:$0x3FFD];
	_ =	sdelay $0x3  }
0x96: {  	_ =	strace s3  }
0x97: {  	_ =	strace $0x8FFFFFFF  }
0x98: {  	s19 =	sld [smem:$0x3FDB];
	_ =	sdelay $0x1  }
0x99: {  	s4 =	simm.s32 $_scs_section_size  }
0x9a: {  	s5 =	simm.s32 $_size__tile_overlayer_lowered;
	s6 =	simm.s32 $_tile_overlayer_lowered  }
0x9b: {  	s22 =	simm.s32 $0x1BFF;
	s21 =	sshll.u32 s6, $0x1;
	s3 =	sadd.s32 s4, s19  }
0x9c: {  	s7 =	simm.s32 $0x0;
	s20 =	sshll.u32 s5, $0x1;
	s5 =	sadd.s32 s21, s3  }
0x9d: {  	[timem:s7], [sflag:s22] =	dma.local [hbm:s5], s20  }
0x9e: {  	_ =	swait.ge [sflag:s22], s20  }
0x9f: {  	s4 =	ssub.s32 $0x0, s20;
	[sflag:s22] =	ssyncset.done $0x0  }
0xa0: {  	[sflag:s22] =	ssyncadd.s32 s4;
	_ =	sdelay $0x1  }
0xa1: {  	s23 =	simm.s32 $0x1B8B  }
0xa2: {  	_ =	swait.ge [sflag:s23], $0x1  }
0xa3: {  	[sflag:s23] =	ssyncset.done $0x0  }
0xa4: {  	s25 =	simm.s32 $0x1B8E;
	s24 =	sld [smem:$0x3FFE];
	[sflag:s23] =	ssyncadd.s32 $0xFFFFFFFF  }
0xa5: {  	s26 =	simm.s32 $execute0_lowered;
	[smem:$0x3FD2] =	sst s25  }
0xa6: {  	s5 =	sshll.u32 s26, $0x1;
	_ =	strace $0x8000004C;
	[dreg:$0x1] =	wrdreg $0xFFFFFFFF  }
0xa7: {  	s28 =	simm.s32 $_size_execute0_lowered;
	s3 =	sadd.s32 s3, s5;
	[dreg:$0x0] =	wrdreg $0x0  }
0xa8: {  	s5 =	sshll.u32 s28, $0x1;
	[dreg:$0x2] =	wrdreg s3  }
0xa9: {  	[dreg:$0x3] =	wrdreg s5  }
0xaa: {  	[dreg:$0x4] =	wrdreg $0xC0  }
0xab: {  	_ =	task [dreg:s7], $0x5FFFF  }
0xac: {  	[dreg:$0x1] =	wrdreg $0xFFFFFFFF  }
0xad: {  	[dreg:$0x0] =	wrdreg $0x60  }
0xae: {  	[dreg:$0x2] =	wrdreg s24  }
0xaf: {  	[dreg:$0x3] =	wrdreg s2  }
0xb0: {  	[dreg:$0x4] =	wrdreg $0x1EA000  }
0xb1: {  	[dreg:$0x5] =	wrdreg $0x9  }
0xb2: {  	_ =	task.clear_ibuf [dreg:s7], $0x6FFFF;
	_ =	strace $0x9000004C  }
0xb3: {  	s29 =	simm.s32 $0x9;
	_ =	strace $0x8000004E  }
0xb4: {  	_ =	swait.ge [sflag:s29], $0x1  }
0xb5: {  	[sflag:s29] =	ssyncadd.s32 $0xFFFFFFFF  }
0xb6: {  	_ =	strace $0x9000004E  }
0xb7: {  	_ =	sfence  }
0xb8: {  	s30 =	sld [smem:$0x0];
	_ =	sdelay $0x2  }
0xb9: {  	s31 =	sshll.u32 s1, $0xD;
	s1 =	sshrl.u32 s1, $0x2  }
0xba: {  	s3 =	sand.u32 $0x4000, s31;
	s1 =	sadd.s32 s1, s30  }
0xbb: {  	s0 =	sor.u32 s3, s0;
	s1 =	sshll.u32 s1, $0x11  }
0xbc: {  	s0 =	sor.u32 s1, s0  }
0xbd: {  	s0 =	sadd.s32 $0x8F2B, s0  }
0xbe: {  	[sflag:s0] =	ssyncadd.remote.s32 $0x1  }
0xbf: {  	_ =	sfence.sel $0xFFFF  }
0xc0: {  	[dreg:$0x0] =	wrdreg $0xFFFFFFFF;
	(pc) =	sbr.abs _section_cstart, $3  }
0xc1: {  	[dreg:$0x1] =	wrdreg $0xFFFFFFFF  }
0xc2: {  	_ =	task.clear_ibuf [dreg:s7], $0x2FFFF;
	_ =	strace $0x9FFFFFFF  }
0xc3: {  	(tm) =	ssettm $0x7FFFFFFF  }
tec
execute0_lowered:
.L_overlay_start_1:
0x0: {  	(tag) =	ssettag $0x1  }
0x1: {  	s5 =	rddreg [dreg:$0x0]  }
0x2: {  	s6 =	rddreg [dreg:$0x1]  }
0x3: {  	s2 =	rddreg [dreg:$0x2];
	s3 =	srdreg.scid  }
0x4: {  	s1 =	stileid.u32;
	s0 =	rddreg [dreg:$0x3];
	s12 =	simm.s32 $0x16  }
0x5: {  	s13 =	simm.s32 $0x18800;
	s14 =	simm.s32 $0x4;
	s15 =	simm.s32 $0x1  }
0x6: {  	s16 =	simm.s32 $0x2;
	s17 =	simm.s32 $0x80;
	s18 =	simm.s32 $0x3  }
0x7: {  	s19 =	simm.s32 $0x0;
	s7 =	sand.u32 $0x1, s3;
	s8 =	smul.u32 $0xC40, s1  }
0x8: {  	s3 =	simm.s32 $0x0;
	s4 =	smul.u32 $0xC400, s7;
	s9 =	sshll.u32 s7, $0x4  }
0x9: {  	[smem:$0x7FF] =	sst s3;
	s7 =	ssub.s32 $0x2, s7;
	s9 =	sor.u32 s1, s9  }
0xa: {  	_ =	strace $0x8000004D;
	s28 =	sshrl.u32 s7, $0x1;
	s10 =	sadd.s32 s8, s4  }
0xb: {  	s11 =	smul.u32 $0x6200, s9;
	s4 =	sadd.s32 $0x2000, s5;
	p0 =	seq.s32 s9, $0x1F  }
0xc: {  	s30 =	ssub.s32 s7, s28;
	s10 =	sshrl.u32 s10, $0x3;
	s12 =	simm.s32 @!p0 $0x0  }
0xd: {  	s10 =	sadd.s32 s10, s5;
	s11 =	smin.u32 s11, $0xBD300;
	s31 =	sshll.u32 s12, $0x7  }
0xe: {  	s9 =	sshll.u32 s12, $0xA;
	s29 =	sshrl.u32 s11, $0x2;
	s7 =	sadd.s32 $0x3A00, s10  }
0xf: {  	s10 =	sadd.s32 $0x18800, s31;
	s11 =	ssub.s32 $0xC4, s12;
	s12 =	simm.s32 $0xC400  }
0x10: {  	v0 =	vimm.f32 $0.0e+00;
	s5 =	sadd.s32 s6, s29;
	s6 =	sadd.s32 s8, s2;
	s8 =	smax.u32 s30, $0x1  }
.LBB2_1:
0x11: {  	[tilespmem:s12], [sflag:$0x1] =	stream.linear.gather [hbm4b:s5+s3], $0xC400, $0x38;
	[tilespmem:$0x1F640] =	vst v63  }
0x12: {  	s20 =	simm.s32 $0x40;
	s21 =	simm.s32 $0x0  }
0x13: {  	[tilespmem:s3], [sflag:$0x2] =	stream.linear.gather [hbm4b:s4+s3], $0xC400, $0x38;
	[tilespmem:$0x1F640] =	vst v63  }
.LBB2_2:
0x14: {  	p0 =	sne.s32 s20, $0x30C0;
	[tilespmem:s21+$0x18800] =	vst v0;
	s21 =	smov.u32 s20;
	s20 =	sadd.s32 $0x40, s20  }
.Ltmp0:
0x15: {  	(pc) =	sbr.rel @p0 .LBB2_2-.Ltmp0, $2  }
0x16: {  	_ =	sdelay $0x2  }
0x17: {  	s21 =	sshra.s32 s21, $0x2  }
0x18: {  	[tilespmem:s21+$0x18800] =	vst v0  }
0x19: {  	[spmem:s6] =	stream.linear.scatter [tilespmem:s13], [sflag:$0x4], $0xC40, $0x38;
	[tilespmem:$0x1F640] =	vst v63  }
0x1a: {  	_ =	swait.ge [sflag:s14], $0xC40  }
0x1b: {  	[sflag:s14] =	ssyncset.done $0x0  }
0x1c: {  	[sflag:s14] =	ssyncadd.s32 $0xFFFFF3C0  }
0x1d: {  	_ =	swait.ge [sflag:s15], $0xC400  }
0x1e: {  	[sflag:s15] =	ssyncset.done $0x0  }
0x1f: {  	[sflag:s15] =	ssyncadd.s32 $0xFFFF3C00  }
0x20: {  	_ =	swait.ge [sflag:s16], $0xC400  }
0x21: {  	[sflag:s16] =	ssyncset.done $0x0  }
0x22: {  	[sflag:s16] =	ssyncadd.s32 $0xFFFF3C00  }
0x23: {  	s20 =	smov.u32 s10;
	s21 =	smov.u32 s9;
	[bflag:$0x0] =	sbarrier.arrive $0xFFFF  }
.LBB2_4:
0x24: {  	s22 =	sshra.s32 s21, $0x2  }
0x25: {  	v1 =	vld [tilespmem:s22+$0xC400];
	_ =	sdelay $0x7  }
0x26: {  	v1 =	vld.idx.msk [tilespmem:v1+s3+$0x0], $0xffff;
	_ =	sdelay $0x4  }
0x27: {  	[tilespmem:s20+$0x0] =	vst v1  }
0x28: {  	v1 =	vld [tilespmem:s22+$0xC410];
	_ =	sdelay $0x7  }
0x29: {  	v1 =	vld.idx.msk [tilespmem:v1+s3+$0x0], $0xffff;
	_ =	sdelay $0x4  }
0x2a: {  	[tilespmem:s20+$0x10] =	vst v1  }
0x2b: {  	v1 =	vld [tilespmem:s22+$0xC420];
	_ =	sdelay $0x7  }
0x2c: {  	v1 =	vld.idx.msk [tilespmem:v1+s3+$0x0], $0xffff;
	_ =	sdelay $0x4  }
0x2d: {  	[tilespmem:s20+$0x20] =	vst v1  }
0x2e: {  	v1 =	vld [tilespmem:s22+$0xC430];
	_ =	sdelay $0x7  }
0x2f: {  	v1 =	vld.idx.msk [tilespmem:v1+s3+$0x0], $0xffff;
	_ =	sdelay $0x4  }
0x30: {  	[tilespmem:s20+$0x30] =	vst v1  }
0x31: {  	v1 =	vld [tilespmem:s22+$0xC440];
	_ =	sdelay $0x7  }
0x32: {  	v1 =	vld.idx.msk [tilespmem:v1+s3+$0x0], $0xffff;
	_ =	sdelay $0x4  }
0x33: {  	[tilespmem:s20+$0x40] =	vst v1  }
0x34: {  	v1 =	vld [tilespmem:s22+$0xC450];
	_ =	sdelay $0x7  }
0x35: {  	v1 =	vld.idx.msk [tilespmem:v1+s3+$0x0], $0xffff;
	_ =	sdelay $0x4  }
0x36: {  	[tilespmem:s20+$0x50] =	vst v1  }
0x37: {  	v1 =	vld [tilespmem:s22+$0xC460];
	_ =	sdelay $0x7  }
0x38: {  	v1 =	vld.idx.msk [tilespmem:v1+s3+$0x0], $0xffff;
	_ =	sdelay $0x4  }
0x39: {  	[tilespmem:s20+$0x60] =	vst v1  }
0x3a: {  	v1 =	vld [tilespmem:s22+$0xC470];
	_ =	sdelay $0x7  }
0x3b: {  	v1 =	vld.idx.msk [tilespmem:v1+s3+$0x0], $0xffff;
	_ =	sdelay $0x1  }
0x3c: {  	p0 =	sne.s32 s21, $0x30C00  }
.Ltmp1:
0x3d: {  	_ = 	snop;
	(pc) =	sbr.rel @p0 .LBB2_4-.Ltmp1, $4  }
0x3e: {  	_ = 	snop  }
0x3f: {  	s22 =	sadd.s32 $0xC480, s22;
	[tilespmem:s20+$0x70] =	vst v1  }
0x40: {  	[spmem:s2] =	stream.indirect.scatter.add.f32 [tilespmem:s20], [sflag:$0x3], $0x1, s22, s17, $0xb8;
	[tilespmem:$0x1F640] =	vst v63  }
0x41: {  	s21 =	sadd.s32 $0x400, s21;
	s20 =	sadd.s32 $0x80, s20  }
0x42: {  	p0 =	sne.s32 s11, $0x1  }
.Ltmp2:
0x43: {  	_ = 	snop;
	(pc) =	sbr.rel @!p0 .LBB2_7-.Ltmp2, $3  }
0x44: {  	_ =	sdelay $0x1  }
0x45: {  	_ =	swait.ge [sflag:s18], $0x80  }
0x46: {  	s20 =	sadd.s32 $0xFFFFFFFF, s11;
	[sflag:s18] =	ssyncset.done $0x0  }
.LBB2_6:
0x47: {  	p0 =	sne.s32 s20, $0x1;
	s20 =	sadd.s32 $0xFFFFFFFF, s20;
	[sflag:s18] =	ssyncadd.s32 $0xFFFFFF80  }
.Ltmp3:
0x48: {  	(pc) =	sbr.rel @p0 .LBB2_6-.Ltmp3, $3  }
0x49: {  	_ =	sdelay $0x1  }
0x4a: {  	_ =	swait.ge [sflag:s18], $0x80  }
0x4b: {  	[sflag:s18] =	ssyncset.done $0x0  }
.LBB2_7:
0x4c: {  	[sflag:s18] =	ssyncadd.s32 $0xFFFFFF80  }
0x4d: {  	[bflag:$0x0] =	sbarrier.arrive $0xFFFF  }
0x4e: {  	[tilespmem:s13], [sflag:$0x4] =	stream.linear.gather [spmem:s6], $0xC40, $0x38;
	[tilespmem:$0x1F640] =	vst v63  }
0x4f: {  	s19 =	sadd.s32 $0x1, s19;
	_ =	swait.ge [sflag:s14], $0xC40  }
0x50: {  	p0 =	sne.s32 s19, s8;
	[sflag:s14] =	ssyncset.done $0x0  }
.Ltmp4:
0x51: {  	[sflag:s14] =	ssyncadd.s32 $0xFFFFF3C0;
	(pc) =	sbr.rel @p0 .LBB2_1-.Ltmp4, $4  }
0x52: {  	[hbm4b:s7+s3] =	stream.linear.scatter [tilespmem:s13], [sflag:$0x4], $0xC40, $0x38;
	[tilespmem:$0x1F640] =	vst v63  }
0x53: {  	_ =	swait.ge [sflag:s14], $0xC40  }
0x54: {  	[sflag:s14] =	ssyncset.done $0x0  }
0x55: {  	[sflag:s14] =	ssyncadd.s32 $0xFFFFF3C0  }
0x56: {  	_ =	sfence.sel $0x180000  }
0x57: {  	[bflag:$0x0] =	sbarrier.arrive $0xFFFF  }
0x58: {  	p0 =	sne.s32 s1, $0x0;
	_ =	strace $0x9000004D  }
0x59: {  	s0 =	sadd.s32 @!p0 $0x100000, s0;
	[bflag:$0x2] =	sbarrier.arrive $0xFFFF  }
0x5a: {  	[sflag:s0] =	ssyncadd.tile.s32 @!p0 $0x1;
	_ =	shalt  }
.Lfunc_end2:
_tile_overlayer_lowered:
.L_overlay_start_2:
0x5b: {  	(tag) =	ssettag $0x2  }
0x5c: {  	s0 =	rddreg [dreg:$0x0];
	s2 =	stileid.u32  }
0x5d: {  	s1 =	rddreg [dreg:$0x1];
	p0 =	sne.s32 s2, $0x0  }
0x5e: {  	s3 =	rddreg [dreg:$0x2];
	[bflag:$0x3] =	sbarrier.arrive $0xFFFF;
	s2 =	simm.s32 @!p0 $0x1C04  }
0x5f: {  	[timem:s3], [sflag:s2] =	dma.local @!p0 [hbm:s0], s1  }
0x60: {  	s0 =	simm.s32 @!p0 $0x4  }
0x61: {  	_ =	swait.ge @!p0 [sflag:s0], s1  }
0x62: {  	s1 =	ssub.s32 @!p0 $0x0, s1;
	[sflag:s0] =	ssyncset.done @!p0 $0x0  }
0x63: {  	[sflag:s0] =	ssyncadd.s32 @!p0 s1  }
0x64: {  	[bflag:$0x3] =	sbarrier.arrive $0xFFFF  }
0x65: {  	_ =	shalt  }

// kernel: kernel.7.cloned.1.call-start
scs
__scs_entry_jumppad:
0x0: {  	(pc) =	sbr.rel $0x88, $3  }
0x1: {  	(tag) =	ssettag $0x0;
	lr =	simm.s32 $0x1  }
0x2: {  	[smem:$0x3F9B] =	sst lr;
	_ =	strace $0xD0000000  }
0x3: {  	_ = 	snop  }
0x4: {  	_ = 	snop  }
0x5: {  	_ = 	snop  }
0x6: {  	_ = 	snop  }
0x7: {  	_ = 	snop  }
__scs_overlays_trampoline_lowered:
0x8: {  	[smem:$0x3FAA] =	sst s0  }
0x9: {  	[smem:$0x3FAB] =	sst s1  }
0xa: {  	[smem:$0x3FAC] =	sst s2  }
0xb: {  	[smem:$0x3FAD] =	sst s3  }
0xc: {  	[smem:$0x3FAE] =	sst s4  }
0xd: {  	[smem:$0x3FAF] =	sst s5  }
0xe: {  	[smem:$0x3FB0] =	sst s6  }
0xf: {  	[smem:$0x3FB1] =	sst s7  }
0x10: {  	[smem:$0x3FB2] =	sst s8  }
0x11: {  	[smem:$0x3FB3] =	sst s9;
	s0 =	simm.s32 @!p0 $0x0  }
0x12: {  	s1 =	sld [smem:$0x3F99];
	s0 =	simm.s32 @p0 $0x1  }
0x13: {  	[smem:$0x3FB4] =	sst s0;
	s0 =	simm.s32 @!p1 $0x0  }
0x14: {  	s2 =	sld [smem:$0x3F98];
	s0 =	simm.s32 @p1 $0x1  }
0x15: {  	[smem:$0x3FB5] =	sst s0;
	s0 =	simm.s32 @!p2 $0x0  }
0x16: {  	s3 =	sld [smem:$0x3FDB];
	s0 =	simm.s32 @p2 $0x1  }
0x17: {  	s4 =	simm.s32 $0x1BF5;
	[smem:$0x3FB7] =	sst s0  }
0x18: {  	s0 =	sld [smem:$0x3F9A];
	_ =	swait.ge [sflag:s4], $0x0  }
0x19: {  	s7 =	sld [smem:$0x3F9B]  }
0x1a: {  	s8 =	sadd.s32 $0xFFFFE003, lr  }
0x1b: {  	s9 =	sadd.s32 $0xFFFFFEF7, lr;
	s5 =	simm.s32 $0xFFFFFFFF;
	p2 =	slt.u32 s8, $0xFFFFF086  }
0x1c: {  	p1 =	slt.u32 s9, $0xF7A;
	s5 =	simm.s32 @!p2 $0x0  }
0x1d: {  	s5 =	simm.s32 @p1 $0x1;
	p0 =	seq.s32 s7, s2  }
0x1e: {  	s7 =	smul.u32 @!p0 $0xF7A, s2;
	p2 =	seq.s32 @!p0 s5, $0x0  }
0x1f: {  	s9 =	smul.u32 $0xF7A, s1;
	s8 =	simm.s32 @!p0 $0x1BF5;
	p2 =	por !p2, p0  }
0x20: {  	[sflag:s8] =	ssyncset.s32 @!p0 $0xFFFFF086;
	s6 =	sadd.s32 @!p0 s3, s7;
	s7 =	simm.s32 @!p0 $0x108  }
0x21: {  	s3 =	sadd.s32 s3, s9;
	s6 =	sadd.s32 @!p0 $0x88, s6;
	s7 =	simm.s32 @p2 $0x1082  }
0x22: {  	[simem:s7], [sflag:s8] =	dma.local @!p0 [hbm:s6], $0xF7A  }
0x23: {  	s9 =	sor.u32 $0xD0000000, s2;
	s6 =	simm.s32 $0x108;
	_ =	swait.ge @!p0 [sflag:s8], $0x0  }
0x24: {  	s3 =	sadd.s32 $0x88, s3;
	s6 =	simm.s32 @!p1 $0x1082;
	[sflag:s4] =	ssyncset.s32 $0xFFFFF086  }
0x25: {  	[simem:s6], [sflag:s4] =	dma.local [hbm:s3], $0xF7A  }
0x26: {  	[smem:$0x3F9B] =	sst s1;
	(tag) =	ssettag s2;
	_ =	strace s9  }
0x27: {  	s1 =	sld [smem:$0x3FAB]  }
0x28: {  	s2 =	sld [smem:$0x3FAC]  }
0x29: {  	s4 =	sld [smem:$0x3FAE]  }
0x2a: {  	p0 =	seq.s32 s5, $0x0;
	s5 =	sld [smem:$0x3FAF]  }
0x2b: {  	s6 =	sld [smem:$0x3FB0]  }
0x2c: {  	s7 =	sld [smem:$0x3FB1]  }
0x2d: {  	s3 =	simm.s32 $0x108;
	s8 =	sld [smem:$0x3FB2]  }
0x2e: {  	s3 =	simm.s32 @!p0 $0x1082;
	s9 =	sld [smem:$0x3FB3]  }
0x2f: {  	lr =	sadd.s32 s0, s3;
	s0 =	sld [smem:$0x3FAA]  }
0x30: {  	s3 =	sld [smem:$0x3FAD]  }
0x31: {  	[smem:$0x3FB6] =	sst s10  }
0x32: {  	s10 =	sld [smem:$0x3FB4];
	_ =	sdelay $0x3  }
0x33: {  	p0 =	seq.s32 s10, $0x1;
	s10 =	sld [smem:$0x3FB6];
	_ =	sdelay $0x3  }
0x34: {  	[smem:$0x3FB6] =	sst s10  }
0x35: {  	s10 =	sld [smem:$0x3FB5];
	_ =	sdelay $0x3  }
0x36: {  	p1 =	seq.s32 s10, $0x1;
	s10 =	sld [smem:$0x3FB6];
	_ =	sdelay $0x3  }
0x37: {  	[smem:$0x3FB6] =	sst s10  }
0x38: {  	s10 =	sld [smem:$0x3FB7]  }
0x39: {  	_ = 	snop;
	(pc) =	sbr.ind lr, $3  }
0x3a: {  	_ = 	snop  }
0x3b: {  	_ = 	snop  }
0x3c: {  	p2 =	seq.s32 s10, $0x1;
	s10 =	sld [smem:$0x3FB6]  }
0x3d: {  	_ =	shalt  }
0x3e: {  	_ =	shalt  }
0x3f: {  	_ =	shalt  }
0x40: {  	_ =	shalt  }
0x41: {  	_ =	shalt  }
0x42: {  	_ =	shalt  }
0x43: {  	_ =	shalt  }
0x44: {  	_ =	shalt  }
0x45: {  	_ =	shalt  }
0x46: {  	_ =	shalt  }
0x47: {  	_ =	shalt  }
0x48: {  	_ =	shalt  }
0x49: {  	_ =	shalt  }
0x4a: {  	_ =	shalt  }
0x4b: {  	_ =	shalt  }
0x4c: {  	_ =	shalt  }
0x4d: {  	_ =	shalt  }
0x4e: {  	_ =	shalt  }
0x4f: {  	_ =	shalt  }
0x50: {  	_ =	shalt  }
0x51: {  	_ =	shalt  }
0x52: {  	_ =	shalt  }
0x53: {  	_ =	shalt  }
0x54: {  	_ =	shalt  }
0x55: {  	_ =	shalt  }
0x56: {  	_ =	shalt  }
0x57: {  	_ =	shalt  }
0x58: {  	_ =	shalt  }
0x59: {  	_ =	shalt  }
0x5a: {  	_ =	shalt  }
0x5b: {  	_ =	shalt  }
0x5c: {  	_ =	shalt  }
0x5d: {  	_ =	shalt  }
0x5e: {  	_ =	shalt  }
0x5f: {  	_ =	shalt  }
0x60: {  	_ =	shalt  }
0x61: {  	_ =	shalt  }
0x62: {  	_ =	shalt  }
0x63: {  	_ =	shalt  }
0x64: {  	_ =	shalt  }
0x65: {  	_ =	shalt  }
0x66: {  	_ =	shalt  }
0x67: {  	_ =	shalt  }
0x68: {  	_ =	shalt  }
0x69: {  	_ =	shalt  }
0x6a: {  	_ =	shalt  }
0x6b: {  	_ =	shalt  }
0x6c: {  	_ =	shalt  }
0x6d: {  	_ =	shalt  }
0x6e: {  	_ =	shalt  }
0x6f: {  	_ =	shalt  }
0x70: {  	_ =	shalt  }
0x71: {  	_ =	shalt  }
0x72: {  	_ =	shalt  }
0x73: {  	_ =	shalt  }
0x74: {  	_ =	shalt  }
0x75: {  	_ =	shalt  }
0x76: {  	_ =	shalt  }
0x77: {  	_ =	shalt  }
0x78: {  	_ =	shalt  }
0x79: {  	_ =	shalt  }
0x7a: {  	_ =	shalt  }
0x7b: {  	_ =	shalt  }
0x7c: {  	_ =	shalt  }
0x7d: {  	_ =	shalt  }
0x7e: {  	_ =	shalt  }
0x7f: {  	_ =	shalt  }
0x80: {  	_ =	shalt  }
0x81: {  	_ =	shalt  }
0x82: {  	_ =	shalt  }
0x83: {  	_ =	shalt  }
0x84: {  	_ =	shalt  }
0x85: {  	_ =	shalt  }
0x86: {  	_ =	shalt  }
0x87: {  	_ =	shalt  }
.Lfunc_end0:
.L_simem_size_0:
called_computation_lowered:
.L_overlay_start_0:
0x88: {  	s2 =	sld [smem:$0x3FD9]  }
0x89: {  	s3 =	sld [smem:$0x3FFE];
	_ =	sdelay $0x1  }
0x8a: {  	s1 =	srdreg.scid  }
0x8b: {  	s0 =	sand.u32 $0x1, s1  }
0x8c: {  	s17 =	sshll.u32 s0, $0xA;
	s2 =	sadd.s32 s3, s2  }
0x8d: {  	s2 =	sadd.s32 s2, s17  }
0x8e: {  	[smem:$0x3FC2] =	sst s2  }
0x8f: {  	_ = 	snop  }
0x90: {  	s2 =	sld [smem:$0x3FC8]  }
0x91: {  	s18 =	sld [smem:$0x3FD0];
	(tm) =	ssettm $0x1  }
0x92: {  	s4 =	sld [smem:$0x3FFB];
	_ =	sdelay $0x3  }
0x93: {  	_ =	strace s4  }
0x94: {  	s4 =	sld [smem:$0x3FFC];
	_ =	sdelay $0x3  }
0x95: {  	_ =	strace s4  }
0x96: {  	s4 =	sld [smem:$0x3FFD];
	_ =	sdelay $0x3  }
0x97: {  	_ =	strace s4  }
0x98: {  	_ =	strace $0x8FFFFFFF  }
0x99: {  	s19 =	sld [smem:$0x3FDB];
	_ =	sdelay $0x1  }
0x9a: {  	s5 =	simm.s32 $_scs_section_size  }
0x9b: {  	s6 =	simm.s32 $_size__tile_overlayer_lowered;
	s7 =	simm.s32 $_tile_overlayer_lowered  }
0x9c: {  	s22 =	simm.s32 $0x1BFF;
	s21 =	sshll.u32 s7, $0x1;
	s4 =	sadd.s32 s5, s19  }
0x9d: {  	s8 =	simm.s32 $0x0;
	s20 =	sshll.u32 s6, $0x1;
	s6 =	sadd.s32 s21, s4  }
0x9e: {  	[timem:s8], [sflag:s22] =	dma.local [hbm:s6], s20  }
0x9f: {  	_ =	swait.ge [sflag:s22], s20  }
0xa0: {  	s5 =	ssub.s32 $0x0, s20;
	[sflag:s22] =	ssyncset.done $0x0  }
0xa1: {  	[sflag:s22] =	ssyncadd.s32 s5;
	_ =	sdelay $0x1  }
0xa2: {  	s23 =	simm.s32 $0x1B8B  }
0xa3: {  	_ =	swait.ge [sflag:s23], $0x1  }
0xa4: {  	[sflag:s23] =	ssyncset.done $0x0  }
0xa5: {  	s25 =	simm.s32 $0x1B8E;
	s24 =	sld [smem:$0x3FFE];
	[sflag:s23] =	ssyncadd.s32 $0xFFFFFFFF  }
0xa6: {  	s26 =	simm.s32 $execute0_lowered;
	[smem:$0x3FD2] =	sst s25  }
0xa7: {  	s6 =	sshll.u32 s26, $0x1;
	_ =	strace $0x80000046;
	[dreg:$0x1] =	wrdreg $0xFFFFFFFF  }
0xa8: {  	s28 =	simm.s32 $_size_execute0_lowered;
	s4 =	sadd.s32 s4, s6;
	[dreg:$0x0] =	wrdreg $0x0  }
0xa9: {  	s6 =	sshll.u32 s28, $0x1;
	[dreg:$0x2] =	wrdreg s4  }
0xaa: {  	[dreg:$0x3] =	wrdreg s6  }
0xab: {  	[dreg:$0x4] =	wrdreg $0xC0  }
0xac: {  	_ =	task [dreg:s8], $0x5FFFF  }
0xad: {  	[dreg:$0x1] =	wrdreg $0xFFFFFFFF  }
0xae: {  	[dreg:$0x0] =	wrdreg $0x60  }
0xaf: {  	[dreg:$0x2] =	wrdreg s2  }
0xb0: {  	[dreg:$0x3] =	wrdreg s18  }
0xb1: {  	[dreg:$0x4] =	wrdreg s24  }
0xb2: {  	[dreg:$0x5] =	wrdreg $0xD1000  }
0xb3: {  	[dreg:$0x6] =	wrdreg $0x9  }
0xb4: {  	_ =	task.clear_ibuf [dreg:s8], $0x7FFFF;
	_ =	strace $0x90000046  }
0xb5: {  	s29 =	simm.s32 $0x9;
	_ =	strace $0x80000048  }
0xb6: {  	_ =	swait.ge [sflag:s29], $0x1  }
0xb7: {  	[sflag:s29] =	ssyncadd.s32 $0xFFFFFFFF  }
0xb8: {  	_ =	strace $0x90000048  }
0xb9: {  	_ =	sfence  }
0xba: {  	s30 =	sld [smem:$0x0];
	_ =	sdelay $0x2  }
0xbb: {  	s31 =	sshll.u32 s1, $0xD;
	s1 =	sshrl.u32 s1, $0x2  }
0xbc: {  	s3 =	sand.u32 $0x4000, s31;
	s1 =	sadd.s32 s1, s30  }
0xbd: {  	s0 =	sor.u32 s3, s0;
	s1 =	sshll.u32 s1, $0x11  }
0xbe: {  	s0 =	sor.u32 s1, s0  }
0xbf: {  	s0 =	sadd.s32 $0x8F2B, s0  }
0xc0: {  	[sflag:s0] =	ssyncadd.remote.s32 $0x1  }
0xc1: {  	_ =	sfence.sel $0xFFFF  }
0xc2: {  	[dreg:$0x0] =	wrdreg $0xFFFFFFFF;
	(pc) =	sbr.abs _section_cstart, $3  }
0xc3: {  	[dreg:$0x1] =	wrdreg $0xFFFFFFFF  }
0xc4: {  	_ =	task.clear_ibuf [dreg:s8], $0x2FFFF;
	_ =	strace $0x9FFFFFFF  }
0xc5: {  	(tm) =	ssettm $0x7FFFFFFF  }
tec
execute0_lowered:
.L_overlay_start_1:
0x0: {  	(tag) =	ssettag $0x1  }
0x1: {  	s5 =	rddreg [dreg:$0x0]  }
0x2: {  	s2 =	rddreg [dreg:$0x1]  }
0x3: {  	s6 =	rddreg [dreg:$0x2]  }
0x4: {  	s3 =	rddreg [dreg:$0x3];
	s4 =	srdreg.scid  }
0x5: {  	s1 =	stileid.u32;
	s0 =	rddreg [dreg:$0x4];
	s13 =	simm.s32 $0xC480  }
0x6: {  	s14 =	simm.s32 $0x1;
	s15 =	simm.s32 $0x80;
	s16 =	simm.s32 $0x2  }
0x7: {  	s17 =	simm.s32 $0x0;
	s7 =	sand.u32 $0x1, s4;
	s8 =	smul.u32 $0xC40, s1  }
0x8: {  	s4 =	simm.s32 $0x0;
	s9 =	smul.u32 $0xC400, s7;
	s10 =	sshll.u32 s7, $0x4  }
0x9: {  	[smem:$0x7FF] =	sst s4;
	s7 =	ssub.s32 $0x2, s7;
	s10 =	sor.u32 s1, s10  }
0xa: {  	_ =	strace $0x80000047;
	s12 =	sshrl.u32 s7, $0x1;
	s9 =	sadd.s32 s8, s9  }
0xb: {  	s11 =	smul.u32 $0x6200, s10;
	p0 =	seq.s32 s10, $0x1F;
	s10 =	simm.s32 $0x16  }
0xc: {  	s12 =	ssub.s32 s7, s12;
	s9 =	sshrl.u32 s9, $0x3;
	s10 =	simm.s32 @!p0 $0x0  }
0xd: {  	s9 =	sadd.s32 s9, s6;
	s30 =	smin.u32 s11, $0xBD300;
	s31 =	sshll.u32 s10, $0x8  }
0xe: {  	s11 =	simm.s32 $0xC400;
	s6 =	sshrl.u32 s30, $0x2;
	s7 =	sadd.s32 $0x2000, s9  }
0xf: {  	s9 =	ssub.s32 $0xC4, s10;
	s10 =	sor.u32 $0x80, s31;
	s5 =	sadd.s32 s5, s6  }
0x10: {  	v0 =	vimm.f32 $0.0e+00;
	s6 =	sadd.s32 s8, s3;
	s8 =	smax.u32 s12, $0x1;
	s12 =	simm.s32 $0x3  }
.LBB2_1:
0x11: {  	[tilespmem:s4], [sflag:$0x1] =	stream.linear.gather [hbm4b:s5+s4], $0xC400, $0x38;
	[tilespmem:$0xDD40] =	vst v63  }
0x12: {  	_ = 	snop  }
0x13: {  	[tilespmem:s11], [sflag:$0x3] =	stream.linear.gather [hbm4b:s2+s4], $0x80, $0x38;
	[tilespmem:$0xDD40] =	vst v63  }
0x14: {  	_ =	swait.ge [sflag:s12], $0x80  }
0x15: {  	[sflag:s12] =	ssyncset.done $0x0  }
0x16: {  	s18 =	simm.s32 $0x40;
	s19 =	simm.s32 $0x0;
	[sflag:s12] =	ssyncadd.s32 $0xFFFFFF80  }
.LBB2_2:
0x17: {  	p0 =	sne.s32 s18, $0x30C0;
	[tilespmem:s19+$0xC480] =	vst v0;
	s19 =	smov.u32 s18;
	s18 =	sadd.s32 $0x40, s18  }
.Ltmp0:
0x18: {  	(pc) =	sbr.rel @p0 .LBB2_2-.Ltmp0, $2  }
0x19: {  	_ =	sdelay $0x2  }
0x1a: {  	s19 =	sshra.s32 s19, $0x2  }
0x1b: {  	[tilespmem:s19+$0xC480] =	vst v0  }
0x1c: {  	[spmem:s6] =	stream.linear.scatter [tilespmem:s13], [sflag:$0x3], $0xC40, $0x38;
	[tilespmem:$0xDD40] =	vst v63  }
0x1d: {  	_ =	swait.ge [sflag:s12], $0xC40  }
0x1e: {  	[sflag:s12] =	ssyncset.done $0x0  }
0x1f: {  	p0 =	sne.s32 s9, $0x1;
	[sflag:s12] =	ssyncadd.s32 $0xFFFFF3C0  }
.Ltmp1:
0x20: {  	_ =	swait.ge [sflag:s14], $0xC400;
	(pc) =	sbr.rel @!p0 .LBB2_5-.Ltmp1, $4  }
0x21: {  	[sflag:s14] =	ssyncset.done $0x0  }
0x22: {  	[sflag:s14] =	ssyncadd.s32 $0xFFFF3C00  }
0x23: {  	s18 =	sadd.s32 $0xFFFFFFFF, s9;
	s19 =	smov.u32 s10;
	[bflag:$0x0] =	sbarrier.arrive $0xFFFF  }
0x24: {  	[spmem:s3] =	stream.indirect.scatter.add.f32 [tilespmem:s11], [sflag:$0x2], $0x1, s10, s15, $0xb8;
	[tilespmem:$0xDD40] =	vst v63  }
.LBB2_4:
0x25: {  	p1 =	sne.s32 s18, $0x1  }
.Ltmp2:
0x26: {  	_ = 	snop;
	(pc) =	sbr.rel @p1 .LBB2_4-.Ltmp2, $3  }
0x27: {  	_ = 	snop  }
0x28: {  	s18 =	sadd.s32 $0xFFFFFFFF, s18;
	s19 =	sadd.s32 $0x100, s19;
	_ =	sdelay $0x1  }
0x29: {  	[spmem:s3] =	stream.indirect.scatter.add.f32 [tilespmem:s11], [sflag:$0x2], $0x1, s19, s15, $0xb8;
	[tilespmem:$0xDD40] =	vst v63  }
.LBB2_5:
.Ltmp3:
0x2a: {  	(pc) =	sbr.rel @!p0 .LBB2_7-.Ltmp3, $3  }
0x2b: {  	_ =	sdelay $0x1  }
0x2c: {  	_ =	swait.ge [sflag:s16], $0x80  }
0x2d: {  	s18 =	sadd.s32 $0xFFFFFFFF, s9;
	[sflag:s16] =	ssyncset.done $0x0  }
.LBB2_6:
0x2e: {  	p0 =	sne.s32 s18, $0x1;
	s18 =	sadd.s32 $0xFFFFFFFF, s18;
	[sflag:s16] =	ssyncadd.s32 $0xFFFFFF80  }
.Ltmp4:
0x2f: {  	(pc) =	sbr.rel @p0 .LBB2_6-.Ltmp4, $3  }
0x30: {  	_ =	sdelay $0x1  }
0x31: {  	_ =	swait.ge [sflag:s16], $0x80  }
0x32: {  	[sflag:s16] =	ssyncset.done $0x0  }
.LBB2_7:
0x33: {  	[sflag:s16] =	ssyncadd.s32 $0xFFFFFF80  }
0x34: {  	[bflag:$0x0] =	sbarrier.arrive $0xFFFF  }
0x35: {  	[tilespmem:s13], [sflag:$0x3] =	stream.linear.gather [spmem:s6], $0xC40, $0x38;
	[tilespmem:$0xDD40] =	vst v63  }
0x36: {  	s17 =	sadd.s32 $0x1, s17;
	_ =	swait.ge [sflag:s12], $0xC40  }
0x37: {  	p0 =	sne.s32 s17, s8;
	[sflag:s12] =	ssyncset.done $0x0  }
.Ltmp5:
0x38: {  	[sflag:s12] =	ssyncadd.s32 $0xFFFFF3C0;
	(pc) =	sbr.rel @p0 .LBB2_1-.Ltmp5, $4  }
0x39: {  	[hbm4b:s7+s4] =	stream.linear.scatter [tilespmem:s13], [sflag:$0x3], $0xC40, $0x38;
	[tilespmem:$0xDD40] =	vst v63  }
0x3a: {  	_ =	swait.ge [sflag:s12], $0xC40  }
0x3b: {  	[sflag:s12] =	ssyncset.done $0x0  }
0x3c: {  	[sflag:s12] =	ssyncadd.s32 $0xFFFFF3C0  }
0x3d: {  	_ =	sfence.sel $0x180000  }
0x3e: {  	[bflag:$0x0] =	sbarrier.arrive $0xFFFF  }
0x3f: {  	p0 =	sne.s32 s1, $0x0;
	_ =	strace $0x90000047  }
0x40: {  	s0 =	sadd.s32 @!p0 $0x100000, s0;
	[bflag:$0x2] =	sbarrier.arrive $0xFFFF  }
0x41: {  	[sflag:s0] =	ssyncadd.tile.s32 @!p0 $0x1;
	_ =	shalt  }
.Lfunc_end2:
_tile_overlayer_lowered:
.L_overlay_start_2:
0x42: {  	(tag) =	ssettag $0x2  }
0x43: {  	s0 =	rddreg [dreg:$0x0];
	s2 =	stileid.u32  }
0x44: {  	s1 =	rddreg [dreg:$0x1];
	p0 =	sne.s32 s2, $0x0  }
0x45: {  	s3 =	rddreg [dreg:$0x2];
	[bflag:$0x3] =	sbarrier.arrive $0xFFFF;
	s2 =	simm.s32 @!p0 $0x1C03  }
0x46: {  	[timem:s3], [sflag:s2] =	dma.local @!p0 [hbm:s0], s1  }
0x47: {  	s0 =	simm.s32 @!p0 $0x3  }
0x48: {  	_ =	swait.ge @!p0 [sflag:s0], s1  }
0x49: {  	s1 =	ssub.s32 @!p0 $0x0, s1;
	[sflag:s0] =	ssyncset.done @!p0 $0x0  }
0x4a: {  	[sflag:s0] =	ssyncadd.s32 @!p0 s1  }
0x4b: {  	[bflag:$0x3] =	sbarrier.arrive $0xFFFF  }
0x4c: {  	_ =	shalt  }

</sc_bundles>
